<compile_context>
chip_gen: v7x
topology: tpu7x:2x2x1
jax: 0.10.2.dev20260603
libtpu: 0.0.44.dev20260713+nightly
codegen_flags: <defaults>
</compile_context>

<pallas_src>
import jax
import jax.numpy as jnp
import numpy as np
from jax import lax
from jax.experimental import pallas as pl
from jax.experimental.pallas import tpu as pltpu
from jax.experimental.pallas import tpu_sc as plsc

N_NODES = 10000
N_EDGES = 320000
D = 128

NC = 2
NS = 16
NW = NC * NS
B = 128
NCHUNK = 80
EPW = NCHUNK * B
E_PAD = NW * EPW
L = 16

SUB_STRIDE = 624
SUB_SPAN = 640

_PAD = E_PAD - N_EDGES
PAD_IDX = ((np.arange(_PAD, dtype=np.int64) * 79) % N_NODES).astype(np.int32)


def _sc_body(x_hbm, src_hbm, dst_hbm, vals_hbm, z_hbm, part_hbm,
             valsv, rows0, rows1, srcb0, srcb1, dstb0, dstb1,
             acc, zs, si0, si1, di0, di1, g0, g1, s0, s1):
    c = lax.axis_index("c")
    s = lax.axis_index("s")
    wid = c * NS + s
    base_row = pl.multiple_of(s * SUB_STRIDE, 8)

    pltpu.async_copy(z_hbm, acc.at[pl.ds(base_row, SUB_SPAN)], zs)

    pltpu.async_copy(src_hbm.at[wid, 0], srcb0, si0)
    pltpu.async_copy(src_hbm.at[wid, 1], srcb1, si1)
    pltpu.async_copy(dst_hbm.at[wid, 0], dstb0, di0)
    pltpu.make_async_copy(src_hbm.at[wid, 0], srcb0, si0).wait()
    pltpu.async_copy(x_hbm.at[srcb0], rows0, g0)
    pltpu.sync_copy(vals_hbm.at[wid], valsv)
    pltpu.make_async_copy(z_hbm, acc.at[pl.ds(base_row, SUB_SPAN)], zs).wait()
    plsc.subcore_barrier()

    bufs = ((srcb0, dstb0, rows0, si0, di0, g0, s0),
            (srcb1, dstb1, rows1, si1, di1, g1, s1))
    NH = NCHUNK // 2

    @pl.loop(0, NH)
    def _pair(k):
        for phase in range(2):
            j = 2 * k + phase
            srcb, dstb, rows, si, di, g, sc = bufs[phase]
            qsrcb, qdstb, qrows, qsi, qdi, qg, qsc = bufs[1 - phase]

            pltpu.make_async_copy(x_hbm.at[srcb], rows, g).wait()

            @pl.when(k < NH - 1)
            def _():
                pltpu.async_copy(src_hbm.at[wid, j + 2], srcb, si)

            if phase == 0:
                @pl.when(k >= 1)
                def _():
                    pltpu.make_async_copy(qrows, acc.at[qdstb], qsc).wait()
            else:
                pltpu.make_async_copy(qrows, acc.at[qdstb], qsc).wait()

            if phase == 0:
                pltpu.async_copy(dst_hbm.at[wid, j + 1], qdstb, qdi)
                pltpu.make_async_copy(src_hbm.at[wid, j + 1], qsrcb, qsi).wait()
                pltpu.async_copy(x_hbm.at[qsrcb], qrows, qg)
            else:
                @pl.when(k < NH - 1)
                def _():
                    pltpu.async_copy(dst_hbm.at[wid, j + 1], qdstb, qdi)
                    pltpu.make_async_copy(src_hbm.at[wid, j + 1],
                                          qsrcb, qsi).wait()
                    pltpu.async_copy(x_hbm.at[qsrcb], qrows, qg)

            jvec = jnp.full((L,), j, jnp.int32)

            @plsc.parallel_loop(0, B, step=1, unroll=4)
            def _scale(i):
                sp = plsc.load_gather(
                    valsv, [jvec, jnp.full((L,), i, jnp.int32)])
                for gg in range(D // L):
                    sl = (i, pl.ds(gg * L, L))
                    rows[sl] = rows[sl] * sp

            pltpu.make_async_copy(dst_hbm.at[wid, j], dstb, di).wait()
            pltpu.async_copy(rows, acc.at[dstb], sc, add=True)

    pltpu.make_async_copy(rows1, acc.at[dstb1], s1).wait()

    plsc.subcore_barrier()
    pltpu.sync_copy(acc.at[pl.ds(base_row, SUB_SPAN)],
                    part_hbm.at[c, pl.ds(base_row, SUB_SPAN)])


@jax.jit
def _spmm_sc(x, src3, dst3, vals3, zblk):
    mesh = plsc.VectorSubcoreMesh(core_axis_name="c", subcore_axis_name="s",
                                  num_cores=NC, num_subcores=NS)
    return pl.kernel(
        _sc_body,
        out_type=jax.ShapeDtypeStruct((NC, N_NODES, D), jnp.float32),
        mesh=mesh,
        scratch_types=[
            pltpu.VMEM((NCHUNK, B), jnp.float32),
            pltpu.VMEM((B, D), jnp.float32),
            pltpu.VMEM((B, D), jnp.float32),
            pltpu.VMEM((B,), jnp.int32),
            pltpu.VMEM((B,), jnp.int32),
            pltpu.VMEM((B,), jnp.int32),
            pltpu.VMEM((B,), jnp.int32),
            pltpu.VMEM_SHARED((N_NODES, D), jnp.float32),
        ] + [pltpu.SemaphoreType.DMA] * 9,
        compiler_params=pltpu.CompilerParams(needs_layout_passes=False),
    )(x, src3, dst3, vals3, zblk)


def _combine_body(p0_ref, p1_ref, e_ref, o_ref):
    o_ref[...] = p0_ref[0] + p1_ref[0] + e_ref[...]


@jax.jit
def _combine(parts, e):
    grid = 10
    rows = N_NODES // grid
    spec = pl.BlockSpec((rows, D), lambda i: (i, 0))
    pspec0 = pl.BlockSpec((1, rows, D), lambda i: (0, i, 0))
    pspec1 = pl.BlockSpec((1, rows, D), lambda i: (1, i, 0))
    return pl.pallas_call(
        _combine_body,
        out_shape=jax.ShapeDtypeStruct((N_NODES, D), jnp.float32),
        grid=(grid,),
        in_specs=[pspec0, pspec1, spec],
        out_specs=spec,
        compiler_params=pltpu.CompilerParams(
            dimension_semantics=("parallel",)),
    )(parts, parts, e)


def kernel(t, x, edge_index, adj_vals, e):
    src = edge_index[0].astype(jnp.int32)
    dst = edge_index[1].astype(jnp.int32)
    spread = jnp.asarray(PAD_IDX)
    src = jnp.concatenate([src, spread])
    dst = jnp.concatenate([dst, spread])
    vals = jnp.concatenate([adj_vals, jnp.zeros((_PAD,), jnp.float32)])
    src3 = src.reshape(NW, NCHUNK, B)
    dst3 = dst.reshape(NW, NCHUNK, B)
    vals3 = vals.reshape(NW, NCHUNK, B)
    zblk = jnp.zeros((SUB_SPAN, D), jnp.float32)
    parts = _spmm_sc(x, src3, dst3, vals3, zblk)
    return _combine(parts, e)

# --- scband reference (transcript-rebuilt; emitter-appended) ---
"""Pipeline reference for scband-odefunc-71116068487680 (READ-ONLY COPY).

The authoritative reference and input builder live on the scoring server;
editing this copy changes nothing except your own understanding.
"""

import jax, jax.numpy as jnp
import numpy as np

N_NODES = 10000
N_EDGES = 320000
D_FEAT = 128


def setup_inputs(seed: int = 0) -> dict:
    key = jax.random.key(seed)
    k1, k2, k3, k4 = jax.random.split(key, 4)
    x = jax.random.normal(k1, (N_NODES, D_FEAT), dtype=jnp.float32)
    edge_index = jax.random.randint(k2, (2, N_EDGES), 0, N_NODES, dtype=jnp.int64)
    adj_vals = jax.random.uniform(k3, (N_EDGES,), dtype=jnp.float32)
    e = jax.random.normal(k4, (N_NODES, D_FEAT), dtype=jnp.float32)
    t = 0
    return {"t": t, "x": x, "edge_index": edge_index, "adj_vals": adj_vals, "e": e}


def reference(t, x, edge_index, adj_vals, e):
    # f = spmm(adj, x) + e
    # sparse adj represented in COO form: (dst=edge_index[1], src=edge_index[0], val=adj_vals)
    src = edge_index[0]
    dst = edge_index[1]
    gathered = jnp.take(x, src, axis=0) * adj_vals[:, None]
    ax = jax.ops.segment_sum(gathered, dst, num_segments=N_NODES)
    f = ax + e
    return f

if __name__ == "__main__":
    import jax
    _d = setup_inputs()
    print(jax.jit(kernel)(*tuple(_d.values())))

</pallas_src>

<mosaic_0001>
#map = affine_map<(d0, d1) -> (0, 0)>
#map1 = affine_map<(d0, d1) -> (0, 0, 0)>
module attributes {stable_mosaic.version = 14 : i64} {
  func.func @_sc_body(%arg0: i32, %arg1: i32, %arg2: memref<10000x128xf32, #tpu.memory_space<hbm>>, %arg3: memref<32x80x128xi32, #tpu.memory_space<hbm>>, %arg4: memref<32x80x128xi32, #tpu.memory_space<hbm>>, %arg5: memref<32x80x128xf32, #tpu.memory_space<hbm>>, %arg6: memref<640x128xf32, #tpu.memory_space<hbm>>, %arg7: memref<2x10000x128xf32, #tpu.memory_space<hbm>>, %arg8: memref<80x128xf32, #tpu.memory_space<vmem>>, %arg9: memref<128x128xf32, #tpu.memory_space<vmem>>, %arg10: memref<128x128xf32, #tpu.memory_space<vmem>>, %arg11: memref<128xi32, #tpu.memory_space<vmem>>, %arg12: memref<128xi32, #tpu.memory_space<vmem>>, %arg13: memref<128xi32, #tpu.memory_space<vmem>>, %arg14: memref<128xi32, #tpu.memory_space<vmem>>, %arg15: memref<10000x128xf32, #tpu.memory_space<vmem_shared>>, %arg16: memref<!tpu.dma_semaphore, #tpu.memory_space<semaphore_mem>>, %arg17: memref<!tpu.dma_semaphore, #tpu.memory_space<semaphore_mem>>, %arg18: memref<!tpu.dma_semaphore, #tpu.memory_space<semaphore_mem>>, %arg19: memref<!tpu.dma_semaphore, #tpu.memory_space<semaphore_mem>>, %arg20: memref<!tpu.dma_semaphore, #tpu.memory_space<semaphore_mem>>, %arg21: memref<!tpu.dma_semaphore, #tpu.memory_space<semaphore_mem>>, %arg22: memref<!tpu.dma_semaphore, #tpu.memory_space<semaphore_mem>>, %arg23: memref<!tpu.dma_semaphore, #tpu.memory_space<semaphore_mem>>, %arg24: memref<!tpu.dma_semaphore, #tpu.memory_space<semaphore_mem>>) attributes {dimension_semantics = [#tpu.dimension_semantics<core_parallel>, #tpu.dimension_semantics<subcore_parallel>], iteration_bounds = array<i64: 2, 16>, scalar_prefetch = 0 : i64, scratch_operands = 17 : i64, tpu.core_type = #tpu.core_type<sc_vector_subcore>, window_params = [{transform_indices = #map}, {transform_indices = #map1}, {transform_indices = #map1}, {transform_indices = #map1}, {transform_indices = #map}, {transform_indices = #map1}]} {
    %mul3A = arith.constant 16 : i32
    %mul3A_0 = arith.muli %arg0, %mul3A : i32
    %add3A = arith.addi %mul3A_0, %arg1 : i32
    %mul3A_1 = arith.constant 624 : i32
    %mul3A_2 = arith.muli %arg1, %mul3A_1 : i32
    %multiple_of3A = tpu.assume_multiple %mul3A_2, 8 : i32
    %dma_start3A = arith.constant 0 : i32
    %dma_start3A_3 = tpu.memref_slice %arg15[%multiple_of3A, %dma_start3A] : memref<10000x128xf32, #tpu.memory_space<vmem_shared>> -> memref<640x128xf32, #tpu.memory_space<vmem_shared>>
    tpu.enqueue_dma source(%arg6 : memref<640x128xf32, #tpu.memory_space<hbm>>) target(%dma_start3A_3 : memref<640x128xf32, #tpu.memory_space<vmem_shared>>) target_semaphore(%arg16 : memref<!tpu.dma_semaphore, #tpu.memory_space<semaphore_mem>>)
    %dma_start3A_4 = arith.constant 0 : i32
    %dma_start3A_5 = arith.constant 0 : i32
    %dma_start3A_6 = tpu.memref_slice %arg3[%add3A, %dma_start3A_4, %dma_start3A_5] : memref<32x80x128xi32, #tpu.memory_space<hbm>> -> memref<1x1x128xi32, #tpu.memory_space<hbm>>
    %dma_start3A_7 = tpu.memref_squeeze %dma_start3A_6 : memref<1x1x128xi32, #tpu.memory_space<hbm>> -> memref<128xi32, #tpu.memory_space<hbm>>
    %dma_start3A_8 = arith.constant 0 : i32
    %dma_start3A_9 = tpu.memref_slice %arg3[%add3A, %dma_start3A_4, %dma_start3A_8] : memref<32x80x128xi32, #tpu.memory_space<hbm>> -> memref<1x1x128xi32, #tpu.memory_space<hbm>>
    %dma_start3A_10 = tpu.memref_squeeze %dma_start3A_9 : memref<1x1x128xi32, #tpu.memory_space<hbm>> -> memref<128xi32, #tpu.memory_space<hbm>>
    tpu.enqueue_dma source(%dma_start3A_10 : memref<128xi32, #tpu.memory_space<hbm>>) target(%arg11 : memref<128xi32, #tpu.memory_space<vmem>>) target_semaphore(%arg17 : memref<!tpu.dma_semaphore, #tpu.memory_space<semaphore_mem>>)
    %dma_start3A_11 = arith.constant 1 : i32
    %dma_start3A_12 = arith.constant 0 : i32
    %dma_start3A_13 = tpu.memref_slice %arg3[%add3A, %dma_start3A_11, %dma_start3A_12] : memref<32x80x128xi32, #tpu.memory_space<hbm>> -> memref<1x1x128xi32, #tpu.memory_space<hbm>>
    %dma_start3A_14 = tpu.memref_squeeze %dma_start3A_13 : memref<1x1x128xi32, #tpu.memory_space<hbm>> -> memref<128xi32, #tpu.memory_space<hbm>>
    %dma_start3A_15 = arith.constant 0 : i32
    %dma_start3A_16 = tpu.memref_slice %arg3[%add3A, %dma_start3A_11, %dma_start3A_15] : memref<32x80x128xi32, #tpu.memory_space<hbm>> -> memref<1x1x128xi32, #tpu.memory_space<hbm>>
    %dma_start3A_17 = tpu.memref_squeeze %dma_start3A_16 : memref<1x1x128xi32, #tpu.memory_space<hbm>> -> memref<128xi32, #tpu.memory_space<hbm>>
    tpu.enqueue_dma source(%dma_start3A_17 : memref<128xi32, #tpu.memory_space<hbm>>) target(%arg12 : memref<128xi32, #tpu.memory_space<vmem>>) target_semaphore(%arg18 : memref<!tpu.dma_semaphore, #tpu.memory_space<semaphore_mem>>)
    %dma_start3A_18 = arith.constant 0 : i32
    %dma_start3A_19 = arith.constant 0 : i32
    %dma_start3A_20 = tpu.memref_slice %arg4[%add3A, %dma_start3A_18, %dma_start3A_19] : memref<32x80x128xi32, #tpu.memory_space<hbm>> -> memref<1x1x128xi32, #tpu.memory_space<hbm>>
    %dma_start3A_21 = tpu.memref_squeeze %dma_start3A_20 : memref<1x1x128xi32, #tpu.memory_space<hbm>> -> memref<128xi32, #tpu.memory_space<hbm>>
    %dma_start3A_22 = arith.constant 0 : i32
    %dma_start3A_23 = tpu.memref_slice %arg4[%add3A, %dma_start3A_18, %dma_start3A_22] : memref<32x80x128xi32, #tpu.memory_space<hbm>> -> memref<1x1x128xi32, #tpu.memory_space<hbm>>
    %dma_start3A_24 = tpu.memref_squeeze %dma_start3A_23 : memref<1x1x128xi32, #tpu.memory_space<hbm>> -> memref<128xi32, #tpu.memory_space<hbm>>
    tpu.enqueue_dma source(%dma_start3A_24 : memref<128xi32, #tpu.memory_space<hbm>>) target(%arg13 : memref<128xi32, #tpu.memory_space<vmem>>) target_semaphore(%arg19 : memref<!tpu.dma_semaphore, #tpu.memory_space<semaphore_mem>>)
    %dma_wait3A = arith.constant 0 : i32
    %dma_wait3A_25 = arith.constant 0 : i32
    %dma_wait3A_26 = tpu.memref_slice %arg3[%add3A, %dma_wait3A, %dma_wait3A_25] : memref<32x80x128xi32, #tpu.memory_space<hbm>> -> memref<1x1x128xi32, #tpu.memory_space<hbm>>
    %dma_wait3A_27 = tpu.memref_squeeze %dma_wait3A_26 : memref<1x1x128xi32, #tpu.memory_space<hbm>> -> memref<128xi32, #tpu.memory_space<hbm>>
    %dma_wait3A_28 = arith.constant 0 : i32
    %dma_wait3A_29 = tpu.memref_slice %arg3[%add3A, %dma_wait3A, %dma_wait3A_28] : memref<32x80x128xi32, #tpu.memory_space<hbm>> -> memref<1x1x128xi32, #tpu.memory_space<hbm>>
    %dma_wait3A_30 = tpu.memref_squeeze %dma_wait3A_29 : memref<1x1x128xi32, #tpu.memory_space<hbm>> -> memref<128xi32, #tpu.memory_space<hbm>>
    tpu.wait_dma2 semaphore(%arg17 : memref<!tpu.dma_semaphore, #tpu.memory_space<semaphore_mem>>) src(%dma_wait3A_30 : memref<128xi32, #tpu.memory_space<hbm>>) dst(%arg11 : memref<128xi32, #tpu.memory_space<vmem>>)
    %dma_start3A_31 = arith.constant 0 : i32
    %dma_start3A_32 = arith.constant 0 : i32
    %dma_start3A_33 = tpu.memref_slice %arg2[%dma_start3A_31, %dma_start3A_32] : memref<10000x128xf32, #tpu.memory_space<hbm>> -> memref<10000x128xf32, #tpu.memory_space<hbm>>
    tpu.enqueue_indirect_dma source(%dma_start3A_33 : memref<10000x128xf32, #tpu.memory_space<hbm>>) target(%arg9 : memref<128x128xf32, #tpu.memory_space<vmem>>) offsets(%arg11 : memref<128xi32, #tpu.memory_space<vmem>>) semaphore(%arg21 : memref<!tpu.dma_semaphore, #tpu.memory_space<semaphore_mem>>)
    "tpu.region"() ({
      %run_scoped3A = tpu.sem_alloc : memref<!tpu.dma_semaphore, #tpu.memory_space<semaphore_mem>>
      %dma_start3A_44 = arith.constant 0 : i32
      %dma_start3A_45 = arith.constant 0 : i32
      %dma_start3A_46 = tpu.memref_slice %arg5[%add3A, %dma_start3A_44, %dma_start3A_45] : memref<32x80x128xf32, #tpu.memory_space<hbm>> -> memref<1x80x128xf32, #tpu.memory_space<hbm>>
      %dma_start3A_47 = tpu.memref_squeeze %dma_start3A_46 : memref<1x80x128xf32, #tpu.memory_space<hbm>> -> memref<80x128xf32, #tpu.memory_space<hbm>>
      %dma_start3A_48 = arith.constant 0 : i32
      %dma_start3A_49 = arith.constant 0 : i32
      %dma_start3A_50 = tpu.memref_slice %arg5[%add3A, %dma_start3A_48, %dma_start3A_49] : memref<32x80x128xf32, #tpu.memory_space<hbm>> -> memref<1x80x128xf32, #tpu.memory_space<hbm>>
      %dma_start3A_51 = tpu.memref_squeeze %dma_start3A_50 : memref<1x80x128xf32, #tpu.memory_space<hbm>> -> memref<80x128xf32, #tpu.memory_space<hbm>>
      tpu.enqueue_dma source(%dma_start3A_51 : memref<80x128xf32, #tpu.memory_space<hbm>>) target(%arg8 : memref<80x128xf32, #tpu.memory_space<vmem>>) target_semaphore(%run_scoped3A : memref<!tpu.dma_semaphore, #tpu.memory_space<semaphore_mem>>)
      %dma_wait3A_52 = arith.constant 0 : i32
      %dma_wait3A_53 = arith.constant 0 : i32
      %dma_wait3A_54 = tpu.memref_slice %arg5[%add3A, %dma_wait3A_52, %dma_wait3A_53] : memref<32x80x128xf32, #tpu.memory_space<hbm>> -> memref<1x80x128xf32, #tpu.memory_space<hbm>>
      %dma_wait3A_55 = tpu.memref_squeeze %dma_wait3A_54 : memref<1x80x128xf32, #tpu.memory_space<hbm>> -> memref<80x128xf32, #tpu.memory_space<hbm>>
      %dma_wait3A_56 = arith.constant 0 : i32
      %dma_wait3A_57 = arith.constant 0 : i32
      %dma_wait3A_58 = tpu.memref_slice %arg5[%add3A, %dma_wait3A_56, %dma_wait3A_57] : memref<32x80x128xf32, #tpu.memory_space<hbm>> -> memref<1x80x128xf32, #tpu.memory_space<hbm>>
      %dma_wait3A_59 = tpu.memref_squeeze %dma_wait3A_58 : memref<1x80x128xf32, #tpu.memory_space<hbm>> -> memref<80x128xf32, #tpu.memory_space<hbm>>
      tpu.wait_dma2 semaphore(%run_scoped3A : memref<!tpu.dma_semaphore, #tpu.memory_space<semaphore_mem>>) src(%dma_wait3A_59 : memref<80x128xf32, #tpu.memory_space<hbm>>) dst(%arg8 : memref<80x128xf32, #tpu.memory_space<vmem>>)
      tpu.yield
    }) : () -> ()
    %dma_wait3A_34 = arith.constant 0 : i32
    %dma_wait3A_35 = tpu.memref_slice %arg15[%multiple_of3A, %dma_wait3A_34] : memref<10000x128xf32, #tpu.memory_space<vmem_shared>> -> memref<640x128xf32, #tpu.memory_space<vmem_shared>>
    tpu.wait_dma2 semaphore(%arg16 : memref<!tpu.dma_semaphore, #tpu.memory_space<semaphore_mem>>) src(%arg6 : memref<640x128xf32, #tpu.memory_space<hbm>>) dst(%dma_wait3A_35 : memref<640x128xf32, #tpu.memory_space<vmem_shared>>)
    %barrier3A = arith.constant 0 : index
    tpu.barrier barrier_id(%barrier3A)
    %scan3A = arith.constant 0 : i32
    %scan3A_36 = arith.constant 40 : i32
    %scan3A_37 = arith.addi %scan3A, %scan3A_36 : i32
    %scan3A_38 = arith.constant 1 : i32
    scf.for %scan3A_44 = %scan3A to %scan3A_37 step %scan3A_38  : i32 {
      %mul3A_45 = arith.constant 1 : i32
      %mul3A_46 = arith.muli %scan3A_44, %mul3A_45 : i32
      %add3A_47 = arith.constant 0 : i32
      %add3A_48 = arith.addi %add3A_47, %mul3A_46 : i32
      %mul3A_49 = arith.constant 2 : i32
      %mul3A_50 = arith.muli %mul3A_49, %add3A_48 : i32
      %add3A_51 = arith.constant 0 : i32
      %add3A_52 = arith.addi %mul3A_50, %add3A_51 : i32
      %dma_wait3A_53 = arith.constant 0 : i32
      %dma_wait3A_54 = arith.constant 0 : i32
      %dma_wait3A_55 = tpu.memref_slice %arg2[%dma_wait3A_53, %dma_wait3A_54] : memref<10000x128xf32, #tpu.memory_space<hbm>> -> memref<10000x128xf32, #tpu.memory_space<hbm>>
      tpu.wait_indirect_dma semaphore(%arg21 : memref<!tpu.dma_semaphore, #tpu.memory_space<semaphore_mem>>) src(%dma_wait3A_55 : memref<10000x128xf32, #tpu.memory_space<hbm>>) dst(%arg9 : memref<128x128xf32, #tpu.memory_space<vmem>>)
      %lt3A = arith.constant 39 : i32
      %lt3A_56 = arith.cmpi slt, %add3A_48, %lt3A : i32
      %convert_element_type3A = arith.extui %lt3A_56 : i1 to i32
      %cond3A = arith.constant 0 : i32
      %cond3A_57 = arith.cmpi ne, %convert_element_type3A, %cond3A : i32
      scf.if %cond3A_57 {
        %add3A_125 = arith.constant 2 : i32
        %add3A_126 = arith.addi %add3A_52, %add3A_125 : i32
        %dma_start3A_127 = arith.constant 0 : i32
        %dma_start3A_128 = tpu.memref_slice %arg3[%add3A, %add3A_126, %dma_start3A_127] : memref<32x80x128xi32, #tpu.memory_space<hbm>> -> memref<1x1x128xi32, #tpu.memory_space<hbm>>
        %dma_start3A_129 = tpu.memref_squeeze %dma_start3A_128 : memref<1x1x128xi32, #tpu.memory_space<hbm>> -> memref<128xi32, #tpu.memory_space<hbm>>
        %dma_start3A_130 = arith.constant 0 : i32
        %dma_start3A_131 = tpu.memref_slice %arg3[%add3A, %add3A_126, %dma_start3A_130] : memref<32x80x128xi32, #tpu.memory_space<hbm>> -> memref<1x1x128xi32, #tpu.memory_space<hbm>>
        %dma_start3A_132 = tpu.memref_squeeze %dma_start3A_131 : memref<1x1x128xi32, #tpu.memory_space<hbm>> -> memref<128xi32, #tpu.memory_space<hbm>>
        tpu.enqueue_dma source(%dma_start3A_132 : memref<128xi32, #tpu.memory_space<hbm>>) target(%arg11 : memref<128xi32, #tpu.memory_space<vmem>>) target_semaphore(%arg17 : memref<!tpu.dma_semaphore, #tpu.memory_space<semaphore_mem>>)
      } else {
      }
      %ge3A = arith.constant 1 : i32
      %ge3A_58 = arith.cmpi sge, %add3A_48, %ge3A : i32
      %convert_element_type3A_59 = arith.extui %ge3A_58 : i1 to i32
      %cond3A_60 = arith.constant 0 : i32
      %cond3A_61 = arith.cmpi ne, %convert_element_type3A_59, %cond3A_60 : i32
      scf.if %cond3A_61 {
        %dma_wait3A_125 = arith.constant 0 : i32
        %dma_wait3A_126 = arith.constant 0 : i32
        %dma_wait3A_127 = tpu.memref_slice %arg15[%dma_wait3A_125, %dma_wait3A_126] : memref<10000x128xf32, #tpu.memory_space<vmem_shared>> -> memref<10000x128xf32, #tpu.memory_space<vmem_shared>>
        tpu.wait_indirect_dma semaphore(%arg24 : memref<!tpu.dma_semaphore, #tpu.memory_space<semaphore_mem>>) src(%arg10 : memref<128x128xf32, #tpu.memory_space<vmem>>) dst(%dma_wait3A_127 : memref<10000x128xf32, #tpu.memory_space<vmem_shared>>)
      } else {
      }
      %add3A_62 = arith.constant 1 : i32
      %add3A_63 = arith.addi %add3A_52, %add3A_62 : i32
      %dma_start3A_64 = arith.constant 0 : i32
      %dma_start3A_65 = tpu.memref_slice %arg4[%add3A, %add3A_63, %dma_start3A_64] : memref<32x80x128xi32, #tpu.memory_space<hbm>> -> memref<1x1x128xi32, #tpu.memory_space<hbm>>
      %dma_start3A_66 = tpu.memref_squeeze %dma_start3A_65 : memref<1x1x128xi32, #tpu.memory_space<hbm>> -> memref<128xi32, #tpu.memory_space<hbm>>
      %dma_start3A_67 = arith.constant 0 : i32
      %dma_start3A_68 = tpu.memref_slice %arg4[%add3A, %add3A_63, %dma_start3A_67] : memref<32x80x128xi32, #tpu.memory_space<hbm>> -> memref<1x1x128xi32, #tpu.memory_space<hbm>>
      %dma_start3A_69 = tpu.memref_squeeze %dma_start3A_68 : memref<1x1x128xi32, #tpu.memory_space<hbm>> -> memref<128xi32, #tpu.memory_space<hbm>>
      tpu.enqueue_dma source(%dma_start3A_69 : memref<128xi32, #tpu.memory_space<hbm>>) target(%arg14 : memref<128xi32, #tpu.memory_space<vmem>>) target_semaphore(%arg20 : memref<!tpu.dma_semaphore, #tpu.memory_space<semaphore_mem>>)
      %add3A_70 = arith.constant 1 : i32
      %add3A_71 = arith.addi %add3A_52, %add3A_70 : i32
      %dma_wait3A_72 = arith.constant 0 : i32
      %dma_wait3A_73 = tpu.memref_slice %arg3[%add3A, %add3A_71, %dma_wait3A_72] : memref<32x80x128xi32, #tpu.memory_space<hbm>> -> memref<1x1x128xi32, #tpu.memory_space<hbm>>
      %dma_wait3A_74 = tpu.memref_squeeze %dma_wait3A_73 : memref<1x1x128xi32, #tpu.memory_space<hbm>> -> memref<128xi32, #tpu.memory_space<hbm>>
      %dma_wait3A_75 = arith.constant 0 : i32
      %dma_wait3A_76 = tpu.memref_slice %arg3[%add3A, %add3A_71, %dma_wait3A_75] : memref<32x80x128xi32, #tpu.memory_space<hbm>> -> memref<1x1x128xi32, #tpu.memory_space<hbm>>
      %dma_wait3A_77 = tpu.memref_squeeze %dma_wait3A_76 : memref<1x1x128xi32, #tpu.memory_space<hbm>> -> memref<128xi32, #tpu.memory_space<hbm>>
      tpu.wait_dma2 semaphore(%arg18 : memref<!tpu.dma_semaphore, #tpu.memory_space<semaphore_mem>>) src(%dma_wait3A_77 : memref<128xi32, #tpu.memory_space<hbm>>) dst(%arg12 : memref<128xi32, #tpu.memory_space<vmem>>)
      %dma_start3A_78 = arith.constant 0 : i32
      %dma_start3A_79 = arith.constant 0 : i32
      %dma_start3A_80 = tpu.memref_slice %arg2[%dma_start3A_78, %dma_start3A_79] : memref<10000x128xf32, #tpu.memory_space<hbm>> -> memref<10000x128xf32, #tpu.memory_space<hbm>>
      tpu.enqueue_indirect_dma source(%dma_start3A_80 : memref<10000x128xf32, #tpu.memory_space<hbm>>) target(%arg10 : memref<128x128xf32, #tpu.memory_space<vmem>>) offsets(%arg12 : memref<128xi32, #tpu.memory_space<vmem>>) semaphore(%arg22 : memref<!tpu.dma_semaphore, #tpu.memory_space<semaphore_mem>>)
      %broadcast_in_dim3A = vector.broadcast %add3A_52 : i32 to vector<16xi32>
      %parallel_loop3A = arith.constant 0 : i32
      %parallel_loop3A_81 = arith.constant 128 : i32
      %parallel_loop3A_82 = arith.constant 1 : i32
      scf.for %parallel_loop3A_125 = %parallel_loop3A to %parallel_loop3A_81 step %parallel_loop3A_82  : i32 {
        %parallel_loop3A_126 = vector.broadcast %parallel_loop3A_125 : i32 to vector<16xi32>
        %parallel_loop3A_127 = tpu.vector_load_idx %arg8[%broadcast_in_dim3A, %parallel_loop3A_126] : memref<80x128xf32, #tpu.memory_space<vmem>>[vector<16xi32>, vector<16xi32>], vector<16xf32>,
        %parallel_loop3A_128 = arith.index_cast %parallel_loop3A_125 : i32 to index
        %parallel_loop3A_129 = arith.constant 0 : index
        %parallel_loop3A_130 = tpu.vector_load %arg9[%parallel_loop3A_128, %parallel_loop3A_129] {strides = array<i32>} : memref<128x128xf32, #tpu.memory_space<vmem>>, vector<16xf32>,
        %parallel_loop3A_131 = arith.mulf %parallel_loop3A_130, %parallel_loop3A_127 : vector<16xf32>
        %parallel_loop3A_132 = arith.index_cast %parallel_loop3A_125 : i32 to index
        %parallel_loop3A_133 = arith.constant 0 : index
        %parallel_loop3A_134 = tpu.vector_load %arg9[%parallel_loop3A_132, %parallel_loop3A_133] {strides = array<i32>} : memref<128x128xf32, #tpu.memory_space<vmem>>, vector<16xf32>,
        tpu.vector_store %arg9[%parallel_loop3A_132, %parallel_loop3A_133], %parallel_loop3A_131 {strides = array<i32>} : memref<128x128xf32, #tpu.memory_space<vmem>>, vector<16xf32>,
        %parallel_loop3A_135 = arith.index_cast %parallel_loop3A_125 : i32 to index
        %parallel_loop3A_136 = arith.constant 16 : index
        %parallel_loop3A_137 = tpu.vector_load %arg9[%parallel_loop3A_135, %parallel_loop3A_136] {strides = array<i32>} : memref<128x128xf32, #tpu.memory_space<vmem>>, vector<16xf32>,
        %parallel_loop3A_138 = arith.mulf %parallel_loop3A_137, %parallel_loop3A_127 : vector<16xf32>
        %parallel_loop3A_139 = arith.index_cast %parallel_loop3A_125 : i32 to index
        %parallel_loop3A_140 = arith.constant 16 : index
        %parallel_loop3A_141 = tpu.vector_load %arg9[%parallel_loop3A_139, %parallel_loop3A_140] {strides = array<i32>} : memref<128x128xf32, #tpu.memory_space<vmem>>, vector<16xf32>,
        tpu.vector_store %arg9[%parallel_loop3A_139, %parallel_loop3A_140], %parallel_loop3A_138 {strides = array<i32>} : memref<128x128xf32, #tpu.memory_space<vmem>>, vector<16xf32>,
        %parallel_loop3A_142 = arith.index_cast %parallel_loop3A_125 : i32 to index
        %parallel_loop3A_143 = arith.constant 32 : index
        %parallel_loop3A_144 = tpu.vector_load %arg9[%parallel_loop3A_142, %parallel_loop3A_143] {strides = array<i32>} : memref<128x128xf32, #tpu.memory_space<vmem>>, vector<16xf32>,
        %parallel_loop3A_145 = arith.mulf %parallel_loop3A_144, %parallel_loop3A_127 : vector<16xf32>
        %parallel_loop3A_146 = arith.index_cast %parallel_loop3A_125 : i32 to index
        %parallel_loop3A_147 = arith.constant 32 : index
        %parallel_loop3A_148 = tpu.vector_load %arg9[%parallel_loop3A_146, %parallel_loop3A_147] {strides = array<i32>} : memref<128x128xf32, #tpu.memory_space<vmem>>, vector<16xf32>,
        tpu.vector_store %arg9[%parallel_loop3A_146, %parallel_loop3A_147], %parallel_loop3A_145 {strides = array<i32>} : memref<128x128xf32, #tpu.memory_space<vmem>>, vector<16xf32>,
        %parallel_loop3A_149 = arith.index_cast %parallel_loop3A_125 : i32 to index
        %parallel_loop3A_150 = arith.constant 48 : index
        %parallel_loop3A_151 = tpu.vector_load %arg9[%parallel_loop3A_149, %parallel_loop3A_150] {strides = array<i32>} : memref<128x128xf32, #tpu.memory_space<vmem>>, vector<16xf32>,
        %parallel_loop3A_152 = arith.mulf %parallel_loop3A_151, %parallel_loop3A_127 : vector<16xf32>
        %parallel_loop3A_153 = arith.index_cast %parallel_loop3A_125 : i32 to index
        %parallel_loop3A_154 = arith.constant 48 : index
        %parallel_loop3A_155 = tpu.vector_load %arg9[%parallel_loop3A_153, %parallel_loop3A_154] {strides = array<i32>} : memref<128x128xf32, #tpu.memory_space<vmem>>, vector<16xf32>,
        tpu.vector_store %arg9[%parallel_loop3A_153, %parallel_loop3A_154], %parallel_loop3A_152 {strides = array<i32>} : memref<128x128xf32, #tpu.memory_space<vmem>>, vector<16xf32>,
        %parallel_loop3A_156 = arith.index_cast %parallel_loop3A_125 : i32 to index
        %parallel_loop3A_157 = arith.constant 64 : index
        %parallel_loop3A_158 = tpu.vector_load %arg9[%parallel_loop3A_156, %parallel_loop3A_157] {strides = array<i32>} : memref<128x128xf32, #tpu.memory_space<vmem>>, vector<16xf32>,
        %parallel_loop3A_159 = arith.mulf %parallel_loop3A_158, %parallel_loop3A_127 : vector<16xf32>
        %parallel_loop3A_160 = arith.index_cast %parallel_loop3A_125 : i32 to index
        %parallel_loop3A_161 = arith.constant 64 : index
        %parallel_loop3A_162 = tpu.vector_load %arg9[%parallel_loop3A_160, %parallel_loop3A_161] {strides = array<i32>} : memref<128x128xf32, #tpu.memory_space<vmem>>, vector<16xf32>,
        tpu.vector_store %arg9[%parallel_loop3A_160, %parallel_loop3A_161], %parallel_loop3A_159 {strides = array<i32>} : memref<128x128xf32, #tpu.memory_space<vmem>>, vector<16xf32>,
        %parallel_loop3A_163 = arith.index_cast %parallel_loop3A_125 : i32 to index
        %parallel_loop3A_164 = arith.constant 80 : index
        %parallel_loop3A_165 = tpu.vector_load %arg9[%parallel_loop3A_163, %parallel_loop3A_164] {strides = array<i32>} : memref<128x128xf32, #tpu.memory_space<vmem>>, vector<16xf32>,
        %parallel_loop3A_166 = arith.mulf %parallel_loop3A_165, %parallel_loop3A_127 : vector<16xf32>
        %parallel_loop3A_167 = arith.index_cast %parallel_loop3A_125 : i32 to index
        %parallel_loop3A_168 = arith.constant 80 : index
        %parallel_loop3A_169 = tpu.vector_load %arg9[%parallel_loop3A_167, %parallel_loop3A_168] {strides = array<i32>} : memref<128x128xf32, #tpu.memory_space<vmem>>, vector<16xf32>,
        tpu.vector_store %arg9[%parallel_loop3A_167, %parallel_loop3A_168], %parallel_loop3A_166 {strides = array<i32>} : memref<128x128xf32, #tpu.memory_space<vmem>>, vector<16xf32>,
        %parallel_loop3A_170 = arith.index_cast %parallel_loop3A_125 : i32 to index
        %parallel_loop3A_171 = arith.constant 96 : index
        %parallel_loop3A_172 = tpu.vector_load %arg9[%parallel_loop3A_170, %parallel_loop3A_171] {strides = array<i32>} : memref<128x128xf32, #tpu.memory_space<vmem>>, vector<16xf32>,
        %parallel_loop3A_173 = arith.mulf %parallel_loop3A_172, %parallel_loop3A_127 : vector<16xf32>
        %parallel_loop3A_174 = arith.index_cast %parallel_loop3A_125 : i32 to index
        %parallel_loop3A_175 = arith.constant 96 : index
        %parallel_loop3A_176 = tpu.vector_load %arg9[%parallel_loop3A_174, %parallel_loop3A_175] {strides = array<i32>} : memref<128x128xf32, #tpu.memory_space<vmem>>, vector<16xf32>,
        tpu.vector_store %arg9[%parallel_loop3A_174, %parallel_loop3A_175], %parallel_loop3A_173 {strides = array<i32>} : memref<128x128xf32, #tpu.memory_space<vmem>>, vector<16xf32>,
        %parallel_loop3A_177 = arith.index_cast %parallel_loop3A_125 : i32 to index
        %parallel_loop3A_178 = arith.constant 112 : index
        %parallel_loop3A_179 = tpu.vector_load %arg9[%parallel_loop3A_177, %parallel_loop3A_178] {strides = array<i32>} : memref<128x128xf32, #tpu.memory_space<vmem>>, vector<16xf32>,
        %parallel_loop3A_180 = arith.mulf %parallel_loop3A_179, %parallel_loop3A_127 : vector<16xf32>
        %parallel_loop3A_181 = arith.index_cast %parallel_loop3A_125 : i32 to index
        %parallel_loop3A_182 = arith.constant 112 : index
        %parallel_loop3A_183 = tpu.vector_load %arg9[%parallel_loop3A_181, %parallel_loop3A_182] {strides = array<i32>} : memref<128x128xf32, #tpu.memory_space<vmem>>, vector<16xf32>,
        tpu.vector_store %arg9[%parallel_loop3A_181, %parallel_loop3A_182], %parallel_loop3A_180 {strides = array<i32>} : memref<128x128xf32, #tpu.memory_space<vmem>>, vector<16xf32>,
      } {sc.loop_unroll_factor = 4 : i64, sc.parallel_access}
      %dma_wait3A_83 = arith.constant 0 : i32
      %dma_wait3A_84 = tpu.memref_slice %arg4[%add3A, %add3A_52, %dma_wait3A_83] : memref<32x80x128xi32, #tpu.memory_space<hbm>> -> memref<1x1x128xi32, #tpu.memory_space<hbm>>
      %dma_wait3A_85 = tpu.memref_squeeze %dma_wait3A_84 : memref<1x1x128xi32, #tpu.memory_space<hbm>> -> memref<128xi32, #tpu.memory_space<hbm>>
      %dma_wait3A_86 = arith.constant 0 : i32
      %dma_wait3A_87 = tpu.memref_slice %arg4[%add3A, %add3A_52, %dma_wait3A_86] : memref<32x80x128xi32, #tpu.memory_space<hbm>> -> memref<1x1x128xi32, #tpu.memory_space<hbm>>
      %dma_wait3A_88 = tpu.memref_squeeze %dma_wait3A_87 : memref<1x1x128xi32, #tpu.memory_space<hbm>> -> memref<128xi32, #tpu.memory_space<hbm>>
      tpu.wait_dma2 semaphore(%arg19 : memref<!tpu.dma_semaphore, #tpu.memory_space<semaphore_mem>>) src(%dma_wait3A_88 : memref<128xi32, #tpu.memory_space<hbm>>) dst(%arg13 : memref<128xi32, #tpu.memory_space<vmem>>)
      %dma_start3A_89 = arith.constant 0 : i32
      %dma_start3A_90 = arith.constant 0 : i32
      %dma_start3A_91 = tpu.memref_slice %arg15[%dma_start3A_89, %dma_start3A_90] : memref<10000x128xf32, #tpu.memory_space<vmem_shared>> -> memref<10000x128xf32, #tpu.memory_space<vmem_shared>>
      tpu.enqueue_indirect_dma source(%arg9 : memref<128x128xf32, #tpu.memory_space<vmem>>) target(%dma_start3A_91 : memref<10000x128xf32, #tpu.memory_space<vmem_shared>>) offsets(%arg13 : memref<128xi32, #tpu.memory_space<vmem>>) semaphore(%arg23 : memref<!tpu.dma_semaphore, #tpu.memory_space<semaphore_mem>>) {add = true}
      %mul3A_92 = arith.constant 2 : i32
      %mul3A_93 = arith.muli %mul3A_92, %add3A_48 : i32
      %add3A_94 = arith.constant 1 : i32
      %add3A_95 = arith.addi %mul3A_93, %add3A_94 : i32
      %dma_wait3A_96 = arith.constant 0 : i32
      %dma_wait3A_97 = arith.constant 0 : i32
      %dma_wait3A_98 = tpu.memref_slice %arg2[%dma_wait3A_96, %dma_wait3A_97] : memref<10000x128xf32, #tpu.memory_space<hbm>> -> memref<10000x128xf32, #tpu.memory_space<hbm>>
      tpu.wait_indirect_dma semaphore(%arg22 : memref<!tpu.dma_semaphore, #tpu.memory_space<semaphore_mem>>) src(%dma_wait3A_98 : memref<10000x128xf32, #tpu.memory_space<hbm>>) dst(%arg10 : memref<128x128xf32, #tpu.memory_space<vmem>>)
      %lt3A_99 = arith.constant 39 : i32
      %lt3A_100 = arith.cmpi slt, %add3A_48, %lt3A_99 : i32
      %convert_element_type3A_101 = arith.extui %lt3A_100 : i1 to i32
      %cond3A_102 = arith.constant 0 : i32
      %cond3A_103 = arith.cmpi ne, %convert_element_type3A_101, %cond3A_102 : i32
      scf.if %cond3A_103 {
        %add3A_125 = arith.constant 2 : i32
        %add3A_126 = arith.addi %add3A_95, %add3A_125 : i32
        %dma_start3A_127 = arith.constant 0 : i32
        %dma_start3A_128 = tpu.memref_slice %arg3[%add3A, %add3A_126, %dma_start3A_127] : memref<32x80x128xi32, #tpu.memory_space<hbm>> -> memref<1x1x128xi32, #tpu.memory_space<hbm>>
        %dma_start3A_129 = tpu.memref_squeeze %dma_start3A_128 : memref<1x1x128xi32, #tpu.memory_space<hbm>> -> memref<128xi32, #tpu.memory_space<hbm>>
        %dma_start3A_130 = arith.constant 0 : i32
        %dma_start3A_131 = tpu.memref_slice %arg3[%add3A, %add3A_126, %dma_start3A_130] : memref<32x80x128xi32, #tpu.memory_space<hbm>> -> memref<1x1x128xi32, #tpu.memory_space<hbm>>
        %dma_start3A_132 = tpu.memref_squeeze %dma_start3A_131 : memref<1x1x128xi32, #tpu.memory_space<hbm>> -> memref<128xi32, #tpu.memory_space<hbm>>
        tpu.enqueue_dma source(%dma_start3A_132 : memref<128xi32, #tpu.memory_space<hbm>>) target(%arg12 : memref<128xi32, #tpu.memory_space<vmem>>) target_semaphore(%arg18 : memref<!tpu.dma_semaphore, #tpu.memory_space<semaphore_mem>>)
      } else {
      }
      %dma_wait3A_104 = arith.constant 0 : i32
      %dma_wait3A_105 = arith.constant 0 : i32
      %dma_wait3A_106 = tpu.memref_slice %arg15[%dma_wait3A_104, %dma_wait3A_105] : memref<10000x128xf32, #tpu.memory_space<vmem_shared>> -> memref<10000x128xf32, #tpu.memory_space<vmem_shared>>
      tpu.wait_indirect_dma semaphore(%arg23 : memref<!tpu.dma_semaphore, #tpu.memory_space<semaphore_mem>>) src(%arg9 : memref<128x128xf32, #tpu.memory_space<vmem>>) dst(%dma_wait3A_106 : memref<10000x128xf32, #tpu.memory_space<vmem_shared>>)
      %lt3A_107 = arith.constant 39 : i32
      %lt3A_108 = arith.cmpi slt, %add3A_48, %lt3A_107 : i32
      %convert_element_type3A_109 = arith.extui %lt3A_108 : i1 to i32
      %cond3A_110 = arith.constant 0 : i32
      %cond3A_111 = arith.cmpi ne, %convert_element_type3A_109, %cond3A_110 : i32
      scf.if %cond3A_111 {
        %add3A_125 = arith.constant 1 : i32
        %add3A_126 = arith.addi %add3A_95, %add3A_125 : i32
        %dma_start3A_127 = arith.constant 0 : i32
        %dma_start3A_128 = tpu.memref_slice %arg4[%add3A, %add3A_126, %dma_start3A_127] : memref<32x80x128xi32, #tpu.memory_space<hbm>> -> memref<1x1x128xi32, #tpu.memory_space<hbm>>
        %dma_start3A_129 = tpu.memref_squeeze %dma_start3A_128 : memref<1x1x128xi32, #tpu.memory_space<hbm>> -> memref<128xi32, #tpu.memory_space<hbm>>
        %dma_start3A_130 = arith.constant 0 : i32
        %dma_start3A_131 = tpu.memref_slice %arg4[%add3A, %add3A_126, %dma_start3A_130] : memref<32x80x128xi32, #tpu.memory_space<hbm>> -> memref<1x1x128xi32, #tpu.memory_space<hbm>>
        %dma_start3A_132 = tpu.memref_squeeze %dma_start3A_131 : memref<1x1x128xi32, #tpu.memory_space<hbm>> -> memref<128xi32, #tpu.memory_space<hbm>>
        tpu.enqueue_dma source(%dma_start3A_132 : memref<128xi32, #tpu.memory_space<hbm>>) target(%arg13 : memref<128xi32, #tpu.memory_space<vmem>>) target_semaphore(%arg19 : memref<!tpu.dma_semaphore, #tpu.memory_space<semaphore_mem>>)
        %add3A_133 = arith.constant 1 : i32
        %add3A_134 = arith.addi %add3A_95, %add3A_133 : i32
        %dma_wait3A_135 = arith.constant 0 : i32
        %dma_wait3A_136 = tpu.memref_slice %arg3[%add3A, %add3A_134, %dma_wait3A_135] : memref<32x80x128xi32, #tpu.memory_space<hbm>> -> memref<1x1x128xi32, #tpu.memory_space<hbm>>
        %dma_wait3A_137 = tpu.memref_squeeze %dma_wait3A_136 : memref<1x1x128xi32, #tpu.memory_space<hbm>> -> memref<128xi32, #tpu.memory_space<hbm>>
        %dma_wait3A_138 = arith.constant 0 : i32
        %dma_wait3A_139 = tpu.memref_slice %arg3[%add3A, %add3A_134, %dma_wait3A_138] : memref<32x80x128xi32, #tpu.memory_space<hbm>> -> memref<1x1x128xi32, #tpu.memory_space<hbm>>
        %dma_wait3A_140 = tpu.memref_squeeze %dma_wait3A_139 : memref<1x1x128xi32, #tpu.memory_space<hbm>> -> memref<128xi32, #tpu.memory_space<hbm>>
        tpu.wait_dma2 semaphore(%arg17 : memref<!tpu.dma_semaphore, #tpu.memory_space<semaphore_mem>>) src(%dma_wait3A_140 : memref<128xi32, #tpu.memory_space<hbm>>) dst(%arg11 : memref<128xi32, #tpu.memory_space<vmem>>)
        %dma_start3A_141 = arith.constant 0 : i32
        %dma_start3A_142 = arith.constant 0 : i32
        %dma_start3A_143 = tpu.memref_slice %arg2[%dma_start3A_141, %dma_start3A_142] : memref<10000x128xf32, #tpu.memory_space<hbm>> -> memref<10000x128xf32, #tpu.memory_space<hbm>>
        tpu.enqueue_indirect_dma source(%dma_start3A_143 : memref<10000x128xf32, #tpu.memory_space<hbm>>) target(%arg9 : memref<128x128xf32, #tpu.memory_space<vmem>>) offsets(%arg11 : memref<128xi32, #tpu.memory_space<vmem>>) semaphore(%arg21 : memref<!tpu.dma_semaphore, #tpu.memory_space<semaphore_mem>>)
      } else {
      }
      %broadcast_in_dim3A_112 = vector.broadcast %add3A_95 : i32 to vector<16xi32>
      %parallel_loop3A_113 = arith.constant 0 : i32
      %parallel_loop3A_114 = arith.constant 128 : i32
      %parallel_loop3A_115 = arith.constant 1 : i32
      scf.for %parallel_loop3A_125 = %parallel_loop3A_113 to %parallel_loop3A_114 step %parallel_loop3A_115  : i32 {
        %parallel_loop3A_126 = vector.broadcast %parallel_loop3A_125 : i32 to vector<16xi32>
        %parallel_loop3A_127 = tpu.vector_load_idx %arg8[%broadcast_in_dim3A_112, %parallel_loop3A_126] : memref<80x128xf32, #tpu.memory_space<vmem>>[vector<16xi32>, vector<16xi32>], vector<16xf32>,
        %parallel_loop3A_128 = arith.index_cast %parallel_loop3A_125 : i32 to index
        %parallel_loop3A_129 = arith.constant 0 : index
        %parallel_loop3A_130 = tpu.vector_load %arg10[%parallel_loop3A_128, %parallel_loop3A_129] {strides = array<i32>} : memref<128x128xf32, #tpu.memory_space<vmem>>, vector<16xf32>,
        %parallel_loop3A_131 = arith.mulf %parallel_loop3A_130, %parallel_loop3A_127 : vector<16xf32>
        %parallel_loop3A_132 = arith.index_cast %parallel_loop3A_125 : i32 to index
        %parallel_loop3A_133 = arith.constant 0 : index
        %parallel_loop3A_134 = tpu.vector_load %arg10[%parallel_loop3A_132, %parallel_loop3A_133] {strides = array<i32>} : memref<128x128xf32, #tpu.memory_space<vmem>>, vector<16xf32>,
        tpu.vector_store %arg10[%parallel_loop3A_132, %parallel_loop3A_133], %parallel_loop3A_131 {strides = array<i32>} : memref<128x128xf32, #tpu.memory_space<vmem>>, vector<16xf32>,
        %parallel_loop3A_135 = arith.index_cast %parallel_loop3A_125 : i32 to index
        %parallel_loop3A_136 = arith.constant 16 : index
        %parallel_loop3A_137 = tpu.vector_load %arg10[%parallel_loop3A_135, %parallel_loop3A_136] {strides = array<i32>} : memref<128x128xf32, #tpu.memory_space<vmem>>, vector<16xf32>,
        %parallel_loop3A_138 = arith.mulf %parallel_loop3A_137, %parallel_loop3A_127 : vector<16xf32>
        %parallel_loop3A_139 = arith.index_cast %parallel_loop3A_125 : i32 to index
        %parallel_loop3A_140 = arith.constant 16 : index
        %parallel_loop3A_141 = tpu.vector_load %arg10[%parallel_loop3A_139, %parallel_loop3A_140] {strides = array<i32>} : memref<128x128xf32, #tpu.memory_space<vmem>>, vector<16xf32>,
        tpu.vector_store %arg10[%parallel_loop3A_139, %parallel_loop3A_140], %parallel_loop3A_138 {strides = array<i32>} : memref<128x128xf32, #tpu.memory_space<vmem>>, vector<16xf32>,
        %parallel_loop3A_142 = arith.index_cast %parallel_loop3A_125 : i32 to index
        %parallel_loop3A_143 = arith.constant 32 : index
        %parallel_loop3A_144 = tpu.vector_load %arg10[%parallel_loop3A_142, %parallel_loop3A_143] {strides = array<i32>} : memref<128x128xf32, #tpu.memory_space<vmem>>, vector<16xf32>,
        %parallel_loop3A_145 = arith.mulf %parallel_loop3A_144, %parallel_loop3A_127 : vector<16xf32>
        %parallel_loop3A_146 = arith.index_cast %parallel_loop3A_125 : i32 to index
        %parallel_loop3A_147 = arith.constant 32 : index
        %parallel_loop3A_148 = tpu.vector_load %arg10[%parallel_loop3A_146, %parallel_loop3A_147] {strides = array<i32>} : memref<128x128xf32, #tpu.memory_space<vmem>>, vector<16xf32>,
        tpu.vector_store %arg10[%parallel_loop3A_146, %parallel_loop3A_147], %parallel_loop3A_145 {strides = array<i32>} : memref<128x128xf32, #tpu.memory_space<vmem>>, vector<16xf32>,
        %parallel_loop3A_149 = arith.index_cast %parallel_loop3A_125 : i32 to index
        %parallel_loop3A_150 = arith.constant 48 : index
        %parallel_loop3A_151 = tpu.vector_load %arg10[%parallel_loop3A_149, %parallel_loop3A_150] {strides = array<i32>} : memref<128x128xf32, #tpu.memory_space<vmem>>, vector<16xf32>,
        %parallel_loop3A_152 = arith.mulf %parallel_loop3A_151, %parallel_loop3A_127 : vector<16xf32>
        %parallel_loop3A_153 = arith.index_cast %parallel_loop3A_125 : i32 to index
        %parallel_loop3A_154 = arith.constant 48 : index
        %parallel_loop3A_155 = tpu.vector_load %arg10[%parallel_loop3A_153, %parallel_loop3A_154] {strides = array<i32>} : memref<128x128xf32, #tpu.memory_space<vmem>>, vector<16xf32>,
        tpu.vector_store %arg10[%parallel_loop3A_153, %parallel_loop3A_154], %parallel_loop3A_152 {strides = array<i32>} : memref<128x128xf32, #tpu.memory_space<vmem>>, vector<16xf32>,
        %parallel_loop3A_156 = arith.index_cast %parallel_loop3A_125 : i32 to index
        %parallel_loop3A_157 = arith.constant 64 : index
        %parallel_loop3A_158 = tpu.vector_load %arg10[%parallel_loop3A_156, %parallel_loop3A_157] {strides = array<i32>} : memref<128x128xf32, #tpu.memory_space<vmem>>, vector<16xf32>,
        %parallel_loop3A_159 = arith.mulf %parallel_loop3A_158, %parallel_loop3A_127 : vector<16xf32>
        %parallel_loop3A_160 = arith.index_cast %parallel_loop3A_125 : i32 to index
        %parallel_loop3A_161 = arith.constant 64 : index
        %parallel_loop3A_162 = tpu.vector_load %arg10[%parallel_loop3A_160, %parallel_loop3A_161] {strides = array<i32>} : memref<128x128xf32, #tpu.memory_space<vmem>>, vector<16xf32>,
        tpu.vector_store %arg10[%parallel_loop3A_160, %parallel_loop3A_161], %parallel_loop3A_159 {strides = array<i32>} : memref<128x128xf32, #tpu.memory_space<vmem>>, vector<16xf32>,
        %parallel_loop3A_163 = arith.index_cast %parallel_loop3A_125 : i32 to index
        %parallel_loop3A_164 = arith.constant 80 : index
        %parallel_loop3A_165 = tpu.vector_load %arg10[%parallel_loop3A_163, %parallel_loop3A_164] {strides = array<i32>} : memref<128x128xf32, #tpu.memory_space<vmem>>, vector<16xf32>,
        %parallel_loop3A_166 = arith.mulf %parallel_loop3A_165, %parallel_loop3A_127 : vector<16xf32>
        %parallel_loop3A_167 = arith.index_cast %parallel_loop3A_125 : i32 to index
        %parallel_loop3A_168 = arith.constant 80 : index
        %parallel_loop3A_169 = tpu.vector_load %arg10[%parallel_loop3A_167, %parallel_loop3A_168] {strides = array<i32>} : memref<128x128xf32, #tpu.memory_space<vmem>>, vector<16xf32>,
        tpu.vector_store %arg10[%parallel_loop3A_167, %parallel_loop3A_168], %parallel_loop3A_166 {strides = array<i32>} : memref<128x128xf32, #tpu.memory_space<vmem>>, vector<16xf32>,
        %parallel_loop3A_170 = arith.index_cast %parallel_loop3A_125 : i32 to index
        %parallel_loop3A_171 = arith.constant 96 : index
        %parallel_loop3A_172 = tpu.vector_load %arg10[%parallel_loop3A_170, %parallel_loop3A_171] {strides = array<i32>} : memref<128x128xf32, #tpu.memory_space<vmem>>, vector<16xf32>,
        %parallel_loop3A_173 = arith.mulf %parallel_loop3A_172, %parallel_loop3A_127 : vector<16xf32>
        %parallel_loop3A_174 = arith.index_cast %parallel_loop3A_125 : i32 to index
        %parallel_loop3A_175 = arith.constant 96 : index
        %parallel_loop3A_176 = tpu.vector_load %arg10[%parallel_loop3A_174, %parallel_loop3A_175] {strides = array<i32>} : memref<128x128xf32, #tpu.memory_space<vmem>>, vector<16xf32>,
        tpu.vector_store %arg10[%parallel_loop3A_174, %parallel_loop3A_175], %parallel_loop3A_173 {strides = array<i32>} : memref<128x128xf32, #tpu.memory_space<vmem>>, vector<16xf32>,
        %parallel_loop3A_177 = arith.index_cast %parallel_loop3A_125 : i32 to index
        %parallel_loop3A_178 = arith.constant 112 : index
        %parallel_loop3A_179 = tpu.vector_load %arg10[%parallel_loop3A_177, %parallel_loop3A_178] {strides = array<i32>} : memref<128x128xf32, #tpu.memory_space<vmem>>, vector<16xf32>,
        %parallel_loop3A_180 = arith.mulf %parallel_loop3A_179, %parallel_loop3A_127 : vector<16xf32>
        %parallel_loop3A_181 = arith.index_cast %parallel_loop3A_125 : i32 to index
        %parallel_loop3A_182 = arith.constant 112 : index
        %parallel_loop3A_183 = tpu.vector_load %arg10[%parallel_loop3A_181, %parallel_loop3A_182] {strides = array<i32>} : memref<128x128xf32, #tpu.memory_space<vmem>>, vector<16xf32>,
        tpu.vector_store %arg10[%parallel_loop3A_181, %parallel_loop3A_182], %parallel_loop3A_180 {strides = array<i32>} : memref<128x128xf32, #tpu.memory_space<vmem>>, vector<16xf32>,
      } {sc.loop_unroll_factor = 4 : i64, sc.parallel_access}
      %dma_wait3A_116 = arith.constant 0 : i32
      %dma_wait3A_117 = tpu.memref_slice %arg4[%add3A, %add3A_95, %dma_wait3A_116] : memref<32x80x128xi32, #tpu.memory_space<hbm>> -> memref<1x1x128xi32, #tpu.memory_space<hbm>>
      %dma_wait3A_118 = tpu.memref_squeeze %dma_wait3A_117 : memref<1x1x128xi32, #tpu.memory_space<hbm>> -> memref<128xi32, #tpu.memory_space<hbm>>
      %dma_wait3A_119 = arith.constant 0 : i32
      %dma_wait3A_120 = tpu.memref_slice %arg4[%add3A, %add3A_95, %dma_wait3A_119] : memref<32x80x128xi32, #tpu.memory_space<hbm>> -> memref<1x1x128xi32, #tpu.memory_space<hbm>>
      %dma_wait3A_121 = tpu.memref_squeeze %dma_wait3A_120 : memref<1x1x128xi32, #tpu.memory_space<hbm>> -> memref<128xi32, #tpu.memory_space<hbm>>
      tpu.wait_dma2 semaphore(%arg20 : memref<!tpu.dma_semaphore, #tpu.memory_space<semaphore_mem>>) src(%dma_wait3A_121 : memref<128xi32, #tpu.memory_space<hbm>>) dst(%arg14 : memref<128xi32, #tpu.memory_space<vmem>>)
      %dma_start3A_122 = arith.constant 0 : i32
      %dma_start3A_123 = arith.constant 0 : i32
      %dma_start3A_124 = tpu.memref_slice %arg15[%dma_start3A_122, %dma_start3A_123] : memref<10000x128xf32, #tpu.memory_space<vmem_shared>> -> memref<10000x128xf32, #tpu.memory_space<vmem_shared>>
      tpu.enqueue_indirect_dma source(%arg10 : memref<128x128xf32, #tpu.memory_space<vmem>>) target(%dma_start3A_124 : memref<10000x128xf32, #tpu.memory_space<vmem_shared>>) offsets(%arg14 : memref<128xi32, #tpu.memory_space<vmem>>) semaphore(%arg24 : memref<!tpu.dma_semaphore, #tpu.memory_space<semaphore_mem>>) {add = true}
    }
    %scan3A_39 = arith.constant 40 : i32
    %dma_wait3A_40 = arith.constant 0 : i32
    %dma_wait3A_41 = arith.constant 0 : i32
    %dma_wait3A_42 = tpu.memref_slice %arg15[%dma_wait3A_40, %dma_wait3A_41] : memref<10000x128xf32, #tpu.memory_space<vmem_shared>> -> memref<10000x128xf32, #tpu.memory_space<vmem_shared>>
    tpu.wait_indirect_dma semaphore(%arg24 : memref<!tpu.dma_semaphore, #tpu.memory_space<semaphore_mem>>) src(%arg10 : memref<128x128xf32, #tpu.memory_space<vmem>>) dst(%dma_wait3A_42 : memref<10000x128xf32, #tpu.memory_space<vmem_shared>>)
    %barrier3A_43 = arith.constant 0 : index
    tpu.barrier barrier_id(%barrier3A_43)
    "tpu.region"() ({
      %run_scoped3A = tpu.sem_alloc : memref<!tpu.dma_semaphore, #tpu.memory_space<semaphore_mem>>
      %dma_start3A_44 = arith.constant 0 : i32
      %dma_start3A_45 = tpu.memref_slice %arg7[%arg0, %multiple_of3A, %dma_start3A_44] : memref<2x10000x128xf32, #tpu.memory_space<hbm>> -> memref<1x640x128xf32, #tpu.memory_space<hbm>>
      %dma_start3A_46 = tpu.memref_squeeze %dma_start3A_45 : memref<1x640x128xf32, #tpu.memory_space<hbm>> -> memref<640x128xf32, #tpu.memory_space<hbm>>
      %dma_start3A_47 = arith.constant 0 : i32
      %dma_start3A_48 = tpu.memref_slice %arg15[%multiple_of3A, %dma_start3A_47] : memref<10000x128xf32, #tpu.memory_space<vmem_shared>> -> memref<640x128xf32, #tpu.memory_space<vmem_shared>>
      tpu.enqueue_dma source(%dma_start3A_48 : memref<640x128xf32, #tpu.memory_space<vmem_shared>>) target(%dma_start3A_46 : memref<640x128xf32, #tpu.memory_space<hbm>>) target_semaphore(%run_scoped3A : memref<!tpu.dma_semaphore, #tpu.memory_space<semaphore_mem>>)
      %dma_wait3A_49 = arith.constant 0 : i32
      %dma_wait3A_50 = tpu.memref_slice %arg7[%arg0, %multiple_of3A, %dma_wait3A_49] : memref<2x10000x128xf32, #tpu.memory_space<hbm>> -> memref<1x640x128xf32, #tpu.memory_space<hbm>>
      %dma_wait3A_51 = tpu.memref_squeeze %dma_wait3A_50 : memref<1x640x128xf32, #tpu.memory_space<hbm>> -> memref<640x128xf32, #tpu.memory_space<hbm>>
      %dma_wait3A_52 = arith.constant 0 : i32
      %dma_wait3A_53 = tpu.memref_slice %arg15[%multiple_of3A, %dma_wait3A_52] : memref<10000x128xf32, #tpu.memory_space<vmem_shared>> -> memref<640x128xf32, #tpu.memory_space<vmem_shared>>
      tpu.wait_dma2 semaphore(%run_scoped3A : memref<!tpu.dma_semaphore, #tpu.memory_space<semaphore_mem>>) src(%dma_wait3A_53 : memref<640x128xf32, #tpu.memory_space<vmem_shared>>) dst(%dma_wait3A_51 : memref<640x128xf32, #tpu.memory_space<hbm>>)
      tpu.yield
    }) : () -> ()
    return
  }
}

</mosaic_0001>

<sc_bundles>
// kernel: _spmm_sc.3.cloned.1.call-start
scs
__scs_entry_jumppad:
0x0: {  	(pc) =	sbr.rel $0x88, $3  }
0x1: {  	(tag) =	ssettag $0x0;
	lr =	simm.s32 $0x1  }
0x2: {  	[smem:$0x3F9C] =	sst lr;
	_ =	strace $0xD0000000  }
0x3: {  	_ = 	snop  }
0x4: {  	_ = 	snop  }
0x5: {  	_ = 	snop  }
0x6: {  	_ = 	snop  }
0x7: {  	_ = 	snop  }
__scs_overlays_trampoline_lowered:
0x8: {  	[smem:$0x3FAB] =	sst s0  }
0x9: {  	[smem:$0x3FAC] =	sst s1  }
0xa: {  	[smem:$0x3FAD] =	sst s2  }
0xb: {  	[smem:$0x3FAE] =	sst s3  }
0xc: {  	[smem:$0x3FAF] =	sst s4  }
0xd: {  	[smem:$0x3FB0] =	sst s5  }
0xe: {  	[smem:$0x3FB1] =	sst s6  }
0xf: {  	[smem:$0x3FB2] =	sst s7  }
0x10: {  	[smem:$0x3FB3] =	sst s8  }
0x11: {  	[smem:$0x3FB4] =	sst s9;
	s0 =	simm.s32 @!p0 $0x0  }
0x12: {  	s1 =	sld [smem:$0x3F9A];
	s0 =	simm.s32 @p0 $0x1  }
0x13: {  	[smem:$0x3FB5] =	sst s0;
	s0 =	simm.s32 @!p1 $0x0  }
0x14: {  	s2 =	sld [smem:$0x3F99];
	s0 =	simm.s32 @p1 $0x1  }
0x15: {  	[smem:$0x3FB6] =	sst s0;
	s0 =	simm.s32 @!p2 $0x0  }
0x16: {  	s3 =	sld [smem:$0x3FDB];
	s0 =	simm.s32 @p2 $0x1  }
0x17: {  	s4 =	simm.s32 $0x1BF5;
	[smem:$0x3FB8] =	sst s0  }
0x18: {  	s0 =	sld [smem:$0x3F9B];
	_ =	swait.ge [sflag:s4], $0x0  }
0x19: {  	s7 =	sld [smem:$0x3F9C]  }
0x1a: {  	s8 =	sadd.s32 $0xFFFFE003, lr  }
0x1b: {  	s9 =	sadd.s32 $0xFFFFFEF7, lr;
	s5 =	simm.s32 $0xFFFFFFFF;
	p2 =	slt.u32 s8, $0xFFFFF086  }
0x1c: {  	p1 =	slt.u32 s9, $0xF7A;
	s5 =	simm.s32 @!p2 $0x0  }
0x1d: {  	s5 =	simm.s32 @p1 $0x1;
	p0 =	seq.s32 s7, s2  }
0x1e: {  	s7 =	smul.u32 @!p0 $0xF7A, s2;
	p2 =	seq.s32 @!p0 s5, $0x0  }
0x1f: {  	s9 =	smul.u32 $0xF7A, s1;
	s8 =	simm.s32 @!p0 $0x1BF5;
	p2 =	por !p2, p0  }
0x20: {  	[sflag:s8] =	ssyncset.s32 @!p0 $0xFFFFF086;
	s6 =	sadd.s32 @!p0 s3, s7;
	s7 =	simm.s32 @!p0 $0x108  }
0x21: {  	s3 =	sadd.s32 s3, s9;
	s6 =	sadd.s32 @!p0 $0x88, s6;
	s7 =	simm.s32 @p2 $0x1082  }
0x22: {  	[simem:s7], [sflag:s8] =	dma.local @!p0 [hbm:s6], $0xF7A  }
0x23: {  	s9 =	sor.u32 $0xD0000000, s2;
	s6 =	simm.s32 $0x108;
	_ =	swait.ge @!p0 [sflag:s8], $0x0  }
0x24: {  	s3 =	sadd.s32 $0x88, s3;
	s6 =	simm.s32 @!p1 $0x1082;
	[sflag:s4] =	ssyncset.s32 $0xFFFFF086  }
0x25: {  	[simem:s6], [sflag:s4] =	dma.local [hbm:s3], $0xF7A  }
0x26: {  	[smem:$0x3F9C] =	sst s1;
	(tag) =	ssettag s2;
	_ =	strace s9  }
0x27: {  	s1 =	sld [smem:$0x3FAC]  }
0x28: {  	s2 =	sld [smem:$0x3FAD]  }
0x29: {  	s4 =	sld [smem:$0x3FAF]  }
0x2a: {  	p0 =	seq.s32 s5, $0x0;
	s5 =	sld [smem:$0x3FB0]  }
0x2b: {  	s6 =	sld [smem:$0x3FB1]  }
0x2c: {  	s7 =	sld [smem:$0x3FB2]  }
0x2d: {  	s3 =	simm.s32 $0x108;
	s8 =	sld [smem:$0x3FB3]  }
0x2e: {  	s3 =	simm.s32 @!p0 $0x1082;
	s9 =	sld [smem:$0x3FB4]  }
0x2f: {  	lr =	sadd.s32 s0, s3;
	s0 =	sld [smem:$0x3FAB]  }
0x30: {  	s3 =	sld [smem:$0x3FAE]  }
0x31: {  	[smem:$0x3FB7] =	sst s10  }
0x32: {  	s10 =	sld [smem:$0x3FB5];
	_ =	sdelay $0x3  }
0x33: {  	p0 =	seq.s32 s10, $0x1;
	s10 =	sld [smem:$0x3FB7];
	_ =	sdelay $0x3  }
0x34: {  	[smem:$0x3FB7] =	sst s10  }
0x35: {  	s10 =	sld [smem:$0x3FB6];
	_ =	sdelay $0x3  }
0x36: {  	p1 =	seq.s32 s10, $0x1;
	s10 =	sld [smem:$0x3FB7];
	_ =	sdelay $0x3  }
0x37: {  	[smem:$0x3FB7] =	sst s10  }
0x38: {  	s10 =	sld [smem:$0x3FB8]  }
0x39: {  	_ = 	snop;
	(pc) =	sbr.ind lr, $3  }
0x3a: {  	_ = 	snop  }
0x3b: {  	_ = 	snop  }
0x3c: {  	p2 =	seq.s32 s10, $0x1;
	s10 =	sld [smem:$0x3FB7]  }
0x3d: {  	_ =	shalt  }
0x3e: {  	_ =	shalt  }
0x3f: {  	_ =	shalt  }
0x40: {  	_ =	shalt  }
0x41: {  	_ =	shalt  }
0x42: {  	_ =	shalt  }
0x43: {  	_ =	shalt  }
0x44: {  	_ =	shalt  }
0x45: {  	_ =	shalt  }
0x46: {  	_ =	shalt  }
0x47: {  	_ =	shalt  }
0x48: {  	_ =	shalt  }
0x49: {  	_ =	shalt  }
0x4a: {  	_ =	shalt  }
0x4b: {  	_ =	shalt  }
0x4c: {  	_ =	shalt  }
0x4d: {  	_ =	shalt  }
0x4e: {  	_ =	shalt  }
0x4f: {  	_ =	shalt  }
0x50: {  	_ =	shalt  }
0x51: {  	_ =	shalt  }
0x52: {  	_ =	shalt  }
0x53: {  	_ =	shalt  }
0x54: {  	_ =	shalt  }
0x55: {  	_ =	shalt  }
0x56: {  	_ =	shalt  }
0x57: {  	_ =	shalt  }
0x58: {  	_ =	shalt  }
0x59: {  	_ =	shalt  }
0x5a: {  	_ =	shalt  }
0x5b: {  	_ =	shalt  }
0x5c: {  	_ =	shalt  }
0x5d: {  	_ =	shalt  }
0x5e: {  	_ =	shalt  }
0x5f: {  	_ =	shalt  }
0x60: {  	_ =	shalt  }
0x61: {  	_ =	shalt  }
0x62: {  	_ =	shalt  }
0x63: {  	_ =	shalt  }
0x64: {  	_ =	shalt  }
0x65: {  	_ =	shalt  }
0x66: {  	_ =	shalt  }
0x67: {  	_ =	shalt  }
0x68: {  	_ =	shalt  }
0x69: {  	_ =	shalt  }
0x6a: {  	_ =	shalt  }
0x6b: {  	_ =	shalt  }
0x6c: {  	_ =	shalt  }
0x6d: {  	_ =	shalt  }
0x6e: {  	_ =	shalt  }
0x6f: {  	_ =	shalt  }
0x70: {  	_ =	shalt  }
0x71: {  	_ =	shalt  }
0x72: {  	_ =	shalt  }
0x73: {  	_ =	shalt  }
0x74: {  	_ =	shalt  }
0x75: {  	_ =	shalt  }
0x76: {  	_ =	shalt  }
0x77: {  	_ =	shalt  }
0x78: {  	_ =	shalt  }
0x79: {  	_ =	shalt  }
0x7a: {  	_ =	shalt  }
0x7b: {  	_ =	shalt  }
0x7c: {  	_ =	shalt  }
0x7d: {  	_ =	shalt  }
0x7e: {  	_ =	shalt  }
0x7f: {  	_ =	shalt  }
0x80: {  	_ =	shalt  }
0x81: {  	_ =	shalt  }
0x82: {  	_ =	shalt  }
0x83: {  	_ =	shalt  }
0x84: {  	_ =	shalt  }
0x85: {  	_ =	shalt  }
0x86: {  	_ =	shalt  }
0x87: {  	_ =	shalt  }
.Lfunc_end0:
.L_simem_size_0:
called_computation_lowered:
.L_overlay_start_0:
0x88: {  	s2 =	sld [smem:$0x3FD9]  }
0x89: {  	s3 =	sld [smem:$0x3FFE];
	_ =	sdelay $0x1  }
0x8a: {  	s1 =	srdreg.scid  }
0x8b: {  	s0 =	sand.u32 $0x1, s1  }
0x8c: {  	s18 =	sshll.u32 s0, $0xA;
	s2 =	sadd.s32 s3, s2  }
0x8d: {  	s2 =	sadd.s32 s2, s18  }
0x8e: {  	[smem:$0x3FC3] =	sst s2  }
0x8f: {  	_ = 	snop  }
0x90: {  	s2 =	sld [smem:$0x3FC9]  }
0x91: {  	s19 =	sld [smem:$0x3FC8]  }
0x92: {  	s4 =	sld [smem:$0x3FC7]  }
0x93: {  	s5 =	sld [smem:$0x3FC6]  }
0x94: {  	s6 =	sld [smem:$0x3FC5]  }
0x95: {  	s7 =	sld [smem:$0x3FD0];
	(tm) =	ssettm $0x1  }
0x96: {  	s8 =	sld [smem:$0x3FFB];
	_ =	sdelay $0x3  }
0x97: {  	_ =	strace s8  }
0x98: {  	s8 =	sld [smem:$0x3FFC];
	_ =	sdelay $0x3  }
0x99: {  	_ =	strace s8  }
0x9a: {  	s8 =	sld [smem:$0x3FFD];
	_ =	sdelay $0x3  }
0x9b: {  	_ =	strace s8  }
0x9c: {  	_ =	strace $0x8FFFFFFF  }
0x9d: {  	s20 =	sld [smem:$0x3FDB];
	_ =	sdelay $0x1  }
0x9e: {  	s9 =	simm.s32 $_scs_section_size  }
0x9f: {  	s10 =	simm.s32 $_size__tile_overlayer_lowered;
	s11 =	simm.s32 $_tile_overlayer_lowered  }
0xa0: {  	s23 =	simm.s32 $0x1BFF;
	s22 =	sshll.u32 s11, $0x1;
	s8 =	sadd.s32 s9, s20  }
0xa1: {  	s12 =	simm.s32 $0x0;
	s21 =	sshll.u32 s10, $0x1;
	s10 =	sadd.s32 s22, s8  }
0xa2: {  	[timem:s12], [sflag:s23] =	dma.local [hbm:s10], s21  }
0xa3: {  	_ =	swait.ge [sflag:s23], s21  }
0xa4: {  	s9 =	ssub.s32 $0x0, s21;
	[sflag:s23] =	ssyncset.done $0x0  }
0xa5: {  	[sflag:s23] =	ssyncadd.s32 s9;
	_ =	sdelay $0x1  }
0xa6: {  	s24 =	simm.s32 $0x1B8B  }
0xa7: {  	_ =	swait.ge [sflag:s24], $0x1  }
0xa8: {  	[sflag:s24] =	ssyncset.done $0x0  }
0xa9: {  	s25 =	simm.s32 $0x1B8E;
	[sflag:s24] =	ssyncadd.s32 $0xFFFFFFFF  }
0xaa: {  	s26 =	simm.s32 $execute0_lowered;
	[smem:$0x3FD2] =	sst s25  }
0xab: {  	s9 =	sshll.u32 s26, $0x1;
	_ =	strace $0x80000046;
	[dreg:$0x1] =	wrdreg $0xFFFFFFFF  }
0xac: {  	s28 =	simm.s32 $_size_execute0_lowered;
	s8 =	sadd.s32 s8, s9;
	[dreg:$0x0] =	wrdreg $0x0  }
0xad: {  	s9 =	sshll.u32 s28, $0x1;
	[dreg:$0x2] =	wrdreg s8  }
0xae: {  	[dreg:$0x3] =	wrdreg s9  }
0xaf: {  	[dreg:$0x4] =	wrdreg $0xC0  }
0xb0: {  	_ =	task [dreg:s12], $0x5FFFF  }
0xb1: {  	[dreg:$0x1] =	wrdreg $0xFFFFFFFF  }
0xb2: {  	[dreg:$0x0] =	wrdreg $0x60  }
0xb3: {  	[dreg:$0x2] =	wrdreg s2  }
0xb4: {  	[dreg:$0x3] =	wrdreg s19  }
0xb5: {  	[dreg:$0x4] =	wrdreg s4  }
0xb6: {  	[dreg:$0x5] =	wrdreg s5  }
0xb7: {  	[dreg:$0x6] =	wrdreg s6  }
0xb8: {  	[dreg:$0x7] =	wrdreg s7  }
0xb9: {  	[dreg:$0x8] =	wrdreg $0xAA000  }
0xba: {  	[dreg:$0x9] =	wrdreg $0x9  }
0xbb: {  	_ =	task.clear_ibuf [dreg:s12], $0xAFFFF;
	_ =	strace $0x90000046  }
0xbc: {  	s29 =	simm.s32 $0x9;
	_ =	strace $0x80000048  }
0xbd: {  	_ =	swait.ge [sflag:s29], $0x1  }
0xbe: {  	[sflag:s29] =	ssyncadd.s32 $0xFFFFFFFF  }
0xbf: {  	_ =	strace $0x90000048  }
0xc0: {  	_ =	sfence  }
0xc1: {  	s30 =	sld [smem:$0x0];
	_ =	sdelay $0x2  }
0xc2: {  	s31 =	sshll.u32 s1, $0xD;
	s1 =	sshrl.u32 s1, $0x2  }
0xc3: {  	s3 =	sand.u32 $0x4000, s31;
	s1 =	sadd.s32 s1, s30  }
0xc4: {  	s0 =	sor.u32 s3, s0;
	s1 =	sshll.u32 s1, $0x11  }
0xc5: {  	s0 =	sor.u32 s1, s0  }
0xc6: {  	s0 =	sadd.s32 $0x8F2B, s0  }
0xc7: {  	[sflag:s0] =	ssyncadd.remote.s32 $0x1  }
0xc8: {  	_ =	sfence.sel $0xFFFF  }
0xc9: {  	[dreg:$0x0] =	wrdreg $0xFFFFFFFF;
	(pc) =	sbr.abs _section_cstart, $3  }
0xca: {  	[dreg:$0x1] =	wrdreg $0xFFFFFFFF  }
0xcb: {  	_ =	task.clear_ibuf [dreg:s12], $0x2FFFF;
	_ =	strace $0x9FFFFFFF  }
0xcc: {  	(tm) =	ssettm $0x7FFFFFFF  }
0xcd: {  	_ =	shalt  }
tec
execute0_lowered:
.L_overlay_start_1:
0x0: {  	(tag) =	ssettag $0x1  }
0x1: {  	s0 =	rddreg [dreg:$0x0]  }
0x2: {  	s1 =	rddreg [dreg:$0x1]  }
0x3: {  	s2 =	rddreg [dreg:$0x2]  }
0x4: {  	s3 =	rddreg [dreg:$0x3]  }
0x5: {  	s4 =	rddreg [dreg:$0x5];
	s5 =	srdreg.scid  }
0x6: {  	s6 =	rddreg [dreg:$0x6];
	s13 =	stileid.u32  }
0x7: {  	s7 =	simm.s32 $0x0;
	s19 =	simm.s32 $0xA880;
	s20 =	simm.s32 $0xA900  }
0x8: {  	s28 =	simm.s32 $0xA980;
	s29 =	simm.s32 $0x3;
	s30 =	simm.s32 $0x6800  }
0x9: {  	s31 =	simm.s32 $0x4;
	s18 =	simm.s32 $0x0;
	s9 =	smul.u32 $0x4E000, s13  }
0xa: {  	s5 =	sand.u32 $0x1, s5;
	[smem:$0x7FF] =	sst s7;
	s12 =	smul.u32 $0x13800, s13  }
0xb: {  	s21 =	sshll.u32 s13, $0x6;
	s8 =	sshll.u32 s5, $0x4;
	s10 =	ssub.s32 $0x2, s5  }
0xc: {  	_ =	strace $0x80000047;
	s5 =	smul.u32 $0x138800, s5;
	[dreg:$0x8] =	wrdreg s21  }
0xd: {  	s8 =	sor.u32 s13, s8;
	s11 =	sshrl.u32 s10, $0x1;
	s9 =	sshrl.u32 s9, $0x2  }
0xe: {  	s8 =	smul.u32 $0x2800, s8;
	s10 =	ssub.s32 s10, s11;
	s9 =	sadd.s32 s9, s6  }
0xf: {  	s11 =	sor.u32 $0x1C01, s21;
	s5 =	sadd.s32 s12, s5;
	s21 =	simm.s32 $0x2  }
0x10: {  	[dreg:$0x9] =	wrdreg s11;
	s5 =	sshrl.u32 s5, $0x3;
	s26 =	smax.u32 s10, $0x1  }
0x11: {  	s17 =	sshrl.u32 s9, $0x3;
	s22 =	sshrl.u32 s8, $0x3;
	s25 =	sadd.s32 s4, s5  }
0x12: {  	[dreg:$0xf] =	wrdreg s26;
	s26 =	simm.s32 $0x6;
	s5 =	simm.s32 $0x5  }
0x13: {  	s4 =	simm.s32 $0x9;
	s23 =	sadd.s32 s1, s22;
	[dreg:$0xe] =	wrdreg s25  }
0x14: {  	s24 =	sadd.s32 s2, s22;
	s3 =	sadd.s32 s3, s22;
	[dreg:$0xa] =	wrdreg s23  }
0x15: {  	s22 =	simm.s32 $0x80;
	s25 =	simm.s32 $0x1;
	[dreg:$0xc] =	wrdreg s24  }
0x16: {  	s11 =	sadd.s32 $0x10, s23;
	[dreg:$0xd] =	wrdreg s3;
	s23 =	simm.s32 $0x2800  }
0x17: {  	s24 =	simm.s32 $0xA;
	s3 =	simm.s32 $0x7;
	[dreg:$0xb] =	wrdreg s11  }
.LBB2_1:
0x18: {  	s9 =	rddreg [dreg:$0x4]  }
0x19: {  	s10 =	rddreg [dreg:$0x9]  }
0x1a: {  	[spmem:s17], [sflag:s10] =	dma.local [hbm:s9], $0x2800  }
0x1b: {  	s13 =	simm.s32 $0xA800;
	s9 =	rddreg [dreg:$0xa]  }
0x1c: {  	[tilespmem:s13], [sflag:$0x2] =	stream.linear.gather [hbm4b:s9+s7], $0x80, $0x38;
	[tilespmem:$0x1E280] =	vst v63  }
0x1d: {  	s14 =	rddreg [dreg:$0xb]  }
0x1e: {  	[tilespmem:s19], [sflag:$0x3] =	stream.linear.gather [hbm4b:s14+s7], $0x80, $0x38;
	[tilespmem:$0x1E280] =	vst v63  }
0x1f: {  	s15 =	rddreg [dreg:$0xc]  }
0x20: {  	[tilespmem:s20], [sflag:$0x4] =	stream.linear.gather [hbm4b:s15+s7], $0x80, $0x38;
	[tilespmem:$0x1E280] =	vst v63  }
0x21: {  	_ =	swait.ge [sflag:s21], $0x80  }
0x22: {  	[sflag:s21] =	ssyncset.done $0x0  }
0x23: {  	[sflag:s21] =	ssyncadd.s32 $0xFFFFFF80  }
0x24: {  	[tilespmem:s23], [sflag:$0x6] =	stream.indirect.gather [hbm4b:s0+s22], $0x80, s13, s22, $0xb8;
	[tilespmem:$0x1E280] =	vst v63  }
0x25: {  	s16 =	rddreg [dreg:$0xd]  }
0x26: {  	[tilespmem:s7], [sflag:$0xA] =	stream.linear.gather [hbm4b:s16+s7], $0x2800, $0x38;
	[tilespmem:$0x1E280] =	vst v63  }
0x27: {  	_ =	swait.ge [sflag:s24], $0x2800  }
0x28: {  	[sflag:s24] =	ssyncset.done $0x0  }
0x29: {  	[sflag:s24] =	ssyncadd.s32 $0xFFFFD800  }
0x2a: {  	_ =	swait.ge [sflag:s25], $0x2800  }
0x2b: {  	[sflag:s25] =	ssyncset.done $0x0  }
0x2c: {  	[sflag:s25] =	ssyncadd.s32 $0xFFFFD800  }
0x2d: {  	s10 =	simm.s32 $0x0;
	[bflag:$0x0] =	sbarrier.arrive $0xFFFF  }
.LBB2_2:
0x2e: {  	p0 =	seq.s32 s10, $0x27  }
0x2f: {  	s12 =	sshll.u32 @!p0 s10, $0x8  }
0x30: {  	p1 =	seq.s32 @!p0 s10, $0x0;
	s9 =	sadd.s32 @!p0 $0x100, s12  }
0x31: {  	p1 =	por p0, !p1;
	s13 =	sand.u32 @!p0 $0x7C00, s9  }
.Ltmp0:
0x32: {  	s9 =	sand.u32 @!p0 $0x300, s9;
	s13 =	sadd.s32 @!p0 s8, s13;
	(pc) =	sbr.rel @!p1 .LBB2_4-.Ltmp0, $4  }
0x33: {  	_ =	swait.ge [sflag:s26], $0x4000;
	s9 =	sor.u32 @!p0 s9, s13  }
0x34: {  	[sflag:s26] =	ssyncset.done $0x0;
	s14 =	simm.s32 @!p0 $0xA800;
	s9 =	sshrl.u32 @!p0 s9, $0x3  }
0x35: {  	[sflag:s26] =	ssyncadd.s32 $0xFFFFC000;
	s13 =	simm.s32 @!p0 $0x0;
	s9 =	sadd.s32 @!p0 s1, s9  }
0x36: {  	[tilespmem:s14], [sflag:$0x2] =	stream.linear.gather @!p0 [hbm4b:s9+s13], $0x80, $0x38;
	[tilespmem:$0x1E280] =	vst v63  }
0x37: {  	_ =	swait.ge [sflag:s4], $0x4000  }
0x38: {  	s12 =	simm.s32 @p0 $0x2700;
	[sflag:s4] =	ssyncset.done $0x0  }
0x39: {  	s13 =	smov.u32 s12;
	[sflag:s4] =	ssyncadd.s32 $0xFFFFC000  }
.LBB2_4:
0x3a: {  	s9 =	sshll.u32 s10, $0x1  }
0x3b: {  	s14 =	sand.u32 $0x3C00, s13;
	s12 =	sor.u32 $0x1, s9  }
0x3c: {  	s15 =	simm.s32 $0x0;
	s11 =	simm.s32 $0x3;
	s12 =	sshll.u32 s12, $0x7  }
0x3d: {  	s14 =	sadd.s32 s8, s14;
	s9 =	sshll.u32 s9, $0x7;
	v0 =	vmov s15;
	s16 =	sand.u32 $0x380, s12  }
0x3e: {  	v2 =	vmov s11;
	v1 =	vmov s9;
	v0 =	vand.u32 $0x7C, v0;
	s14 =	sor.u32 s14, s16  }
0x3f: {  	v2 =	vand.u32 $0x7F, v2;
	v0 =	vor.u32 v1, v0;
	s14 =	sshrl.u32 s14, $0x3  }
0x40: {  	v2 =	vor.u32 v1, v2;
	v0 =	vbroadcast v0, $0x0;
	s9 =	sadd.s32 s2, s14  }
0x41: {  	v2 =	vbroadcast v2, $0x0;
	[tilespmem:s28], [sflag:$0x5] =	stream.linear.gather [hbm4b:s9+s15], $0x80, $0x38;
	[tilespmem:$0x1E280] =	vst v63  }
0x42: {  	_ =	swait.ge [sflag:s29], $0x80  }
0x43: {  	[sflag:s29] =	ssyncset.done $0x0  }
0x44: {  	[sflag:s29] =	ssyncadd.s32 $0xFFFFFF80  }
0x45: {  	[tilespmem:s30], [sflag:$0x7] =	stream.indirect.gather [hbm4b:s0+s22], $0x80, s19, s22, $0xb8;
	[tilespmem:$0x1E280] =	vst v63  }
0x46: {  	s15 =	simm.s32 $0x1;
	v3 =	vld.idx.msk [tilespmem:v0+s7+$0x0], $0xffff  }
0x47: {  	s14 =	simm.s32 $0x2900;
	v4 =	vmov s15;
	v0 =	vld.idx.msk [tilespmem:v2+s7+$0x0], $0xffff  }
0x48: {  	v2 =	vand.u32 $0x7D, v4;
	v4 =	vld [tilespmem:s14+$0xF0]  }
0x49: {  	v5 =	vld [tilespmem:s14+$0xFFFFFF00]  }
0x4a: {  	v6 =	vld [tilespmem:s14+$0xFFFFFF10];
	v2 =	vor.u32 v1, v2  }
0x4b: {  	v7 =	vld [tilespmem:s14+$0xFFFFFF20];
	v2 =	vbroadcast v2, $0x0  }
0x4c: {  	v8 =	vld [tilespmem:s14+$0xFFFFFF30]  }
0x4d: {  	v9 =	vld [tilespmem:s14+$0xFFFFFF40]  }
0x4e: {  	v10 =	vld [tilespmem:s14+$0xFFFFFF50];
	v5 =	vmul.f32 v5, v3  }
0x4f: {  	v11 =	vld [tilespmem:s14+$0xFFFFFF60]  }
0x50: {  	s16 =	simm.s32 $0x2;
	v4 =	vmul.f32 v4, v0;
	[tilespmem:s14+$0xFFFFFF00] =	vst v5;
	v5 =	vld [tilespmem:s14+$0xFFFFFF70]  }
0x51: {  	v12 =	vmov s16;
	v6 =	vmul.f32 v6, v3;
	v13 =	vld.idx.msk [tilespmem:v2+s7+$0x0], $0xffff  }
0x52: {  	[tilespmem:s14+$0xF0] =	vst v4;
	v4 =	vmul.f32 v7, v3;
	v2 =	vand.u32 $0x7E, v12;
	v12 =	vld [tilespmem:s14+$0xFFFFFF80]  }
0x53: {  	v7 =	vld [tilespmem:s14+$0xFFFFFF90];
	[tilespmem:s14+$0xFFFFFF10] =	vst v6;
	v6 =	vmul.f32 v8, v3;
	v2 =	vor.u32 v1, v2  }
0x54: {  	v8 =	vld [tilespmem:s14+$0xFFFFFFA0];
	[tilespmem:s14+$0xFFFFFF20] =	vst v4;
	v4 =	vmul.f32 v9, v3;
	v2 =	vbroadcast v2, $0x0  }
0x55: {  	v9 =	vld [tilespmem:s14+$0xFFFFFFB0];
	[tilespmem:s14+$0xFFFFFF30] =	vst v6;
	v6 =	vmul.f32 v10, v3  }
0x56: {  	v11 =	vmul.f32 v11, v3;
	v10 =	vld [tilespmem:s14+$0xFFFFFFC0];
	[tilespmem:s14+$0xFFFFFF40] =	vst v4;
	v3 =	vmul.f32 v5, v3  }
0x57: {  	[tilespmem:s14+$0xFFFFFF50] =	vst v6;
	v6 =	vld [tilespmem:s14+$0xFFFFFFE0];
	v4 =	vmul.f32 v12, v13  }
0x58: {  	v12 =	vld [tilespmem:s14+$0xFFFFFFD0];
	[tilespmem:s14+$0xFFFFFF70] =	vst v3  }
0x59: {  	v3 =	vmul.f32 v8, v13;
	[tilespmem:s14+$0xFFFFFF80] =	vst v4;
	v4 =	vmul.f32 v7, v13;
	v7 =	vld [tilespmem:s14+$0x0]  }
0x5a: {  	[tilespmem:s14+$0xFFFFFF60] =	vst v11;
	v2 =	vld.idx.msk [tilespmem:v2+s7+$0x0], $0xffff  }
0x5b: {  	v5 =	vld [tilespmem:s14+$0xFFFFFFF0];
	[tilespmem:s14+$0xFFFFFFA0] =	vst v3;
	v3 =	vmul.f32 v10, v13  }
0x5c: {  	v8 =	vld [tilespmem:s14+$0x10];
	[tilespmem:s14+$0xFFFFFF90] =	vst v4;
	v4 =	vmul.f32 v9, v13  }
0x5d: {  	s11 =	simm.s32 $0x4;
	v6 =	vmul.f32 v6, v13;
	v9 =	vld [tilespmem:s14+$0x20];
	[tilespmem:s14+$0xFFFFFFC0] =	vst v3  }
0x5e: {  	v11 =	vmov s11;
	v10 =	vld [tilespmem:s14+$0x30];
	[tilespmem:s14+$0xFFFFFFB0] =	vst v4;
	v4 =	vmul.f32 v12, v13  }
0x5f: {  	v11 =	vand.u32 $0x7C, v11;
	v3 =	vld [tilespmem:s14+$0x40];
	[tilespmem:s14+$0xFFFFFFE0] =	vst v6;
	v7 =	vmul.f32 v7, v2  }
0x60: {  	s16 =	simm.s32 $0x6;
	s15 =	simm.s32 $0x5;
	v6 =	vor.u32 v1, v11;
	v12 =	vmul.f32 v5, v13;
	[tilespmem:s14+$0xFFFFFFD0] =	vst v4;
	v4 =	vld [tilespmem:s14+$0x50]  }
0x61: {  	v13 =	vmov s15;
	v5 =	vld [tilespmem:s14+$0x60];
	v8 =	vmul.f32 v8, v2;
	[tilespmem:s14+$0x0] =	vst v7;
	v7 =	vmov s16  }
0x62: {  	[tilespmem:s14+$0xFFFFFFF0] =	vst v12;
	v12 =	vand.u32 $0x7D, v13;
	v9 =	vmul.f32 v9, v2;
	v11 =	vand.u32 $0x7E, v7;
	v7 =	vld [tilespmem:s14+$0x70]  }
0x63: {  	s9 =	simm.s32 $0x7;
	v6 =	vbroadcast v6, $0x0;
	s15 =	simm.s32 $0x2900;
	v10 =	vmul.f32 v10, v2;
	v12 =	vor.u32 v1, v12;
	s16 =	simm.s32 $0x8;
	[tilespmem:s14+$0x10] =	vst v8;
	v8 =	vld [tilespmem:s14+$0x80]  }
.LBB2_5:
0x64: {  	p1 =	slt.u32 s16, $0x7C;
	v11 =	vor.u32 v1, v11;
	v13 =	vmov s9;
	[tilespmem:s14+$0x20] =	vst v9;
	v3 =	vmul.f32 v3, v2;
	v9 =	vld [tilespmem:s14+$0x90]  }
0x65: {  	v12 =	vbroadcast v12, $0x0;
	v13 =	vand.u32 $0x7F, v13;
	[tilespmem:s14+$0x30] =	vst v10;
	v4 =	vmul.f32 v4, v2;
	v10 =	vld [tilespmem:s14+$0xA0]  }
0x66: {  	v11 =	vbroadcast v11, $0x0;
	v13 =	vor.u32 v1, v13;
	[tilespmem:s14+$0x40] =	vst v3;
	v3 =	vmul.f32 v5, v2;
	v5 =	vld [tilespmem:s14+$0xB0]  }
0x67: {  	v13 =	vbroadcast v13, $0x0;
	[tilespmem:s14+$0x50] =	vst v4;
	v2 =	vmul.f32 v7, v2;
	v4 =	vld [tilespmem:s14+$0xC0]  }
0x68: {  	[tilespmem:s14+$0x60] =	vst v3;
	v3 =	vmul.f32 v8, v0;
	v7 =	vld [tilespmem:s14+$0xD0]  }
0x69: {  	[tilespmem:s14+$0x70] =	vst v2;
	v2 =	vmul.f32 v9, v0;
	v8 =	vld [tilespmem:s14+$0xE0]  }
0x6a: {  	v6 =	vld.idx.msk [tilespmem:v6+s7+$0x0], $0xffff;
	[tilespmem:s14+$0x80] =	vst v3;
	v3 =	vmul.f32 v10, v0  }
0x6b: {  	v9 =	vld.idx.msk [tilespmem:v12+s7+$0x0], $0xffff;
	[tilespmem:s14+$0x90] =	vst v2;
	v5 =	vmul.f32 v5, v0  }
0x6c: {  	v2 =	vld.idx.msk [tilespmem:v11+s7+$0x0], $0xffff;
	[tilespmem:s14+$0xA0] =	vst v3;
	v3 =	vmul.f32 v4, v0  }
0x6d: {  	s14 =	sadd.s32 $0x200, s14;
	v4 =	vld.idx.msk [tilespmem:v13+s7+$0x0], $0xffff;
	[tilespmem:s15+$0xB0] =	vst v5;
	v5 =	vmul.f32 v7, v0  }
0x6e: {  	v7 =	vld [tilespmem:s14+$0xF0];
	[tilespmem:s15+$0xC0] =	vst v3;
	v0 =	vmul.f32 v8, v0  }
0x6f: {  	v3 =	vld [tilespmem:s14+$0xFFFFFF00];
	[tilespmem:s15+$0xD0] =	vst v5  }
0x70: {  	v5 =	vld [tilespmem:s14+$0xFFFFFF10];
	[tilespmem:s15+$0xE0] =	vst v0;
	s15 =	smov.u32 s14  }
0x71: {  	v8 =	vld [tilespmem:s14+$0xFFFFFF20]  }
0x72: {  	v10 =	vld [tilespmem:s14+$0xFFFFFF30]  }
0x73: {  	v0 =	vmov v4;
	v11 =	vld [tilespmem:s14+$0xFFFFFF40];
	v7 =	vmul.f32 v7, v4  }
0x74: {  	v3 =	vmul.f32 v3, v6;
	v4 =	vld [tilespmem:s14+$0xFFFFFF50]  }
0x75: {  	v5 =	vmul.f32 v5, v6;
	v12 =	vld [tilespmem:s14+$0xFFFFFF60];
	[tilespmem:s14+$0xF0] =	vst v7  }
0x76: {  	[tilespmem:s14+$0xFFFFFF00] =	vst v3;
	v3 =	vmul.f32 v8, v6;
	v7 =	vld [tilespmem:s14+$0xFFFFFF70]  }
0x77: {  	[tilespmem:s14+$0xFFFFFF10] =	vst v5;
	v5 =	vmul.f32 v10, v6;
	v8 =	vld [tilespmem:s14+$0xFFFFFF80]  }
0x78: {  	[tilespmem:s14+$0xFFFFFF20] =	vst v3;
	v3 =	vmul.f32 v11, v6;
	v10 =	vld [tilespmem:s14+$0xFFFFFF90]  }
0x79: {  	[tilespmem:s14+$0xFFFFFF30] =	vst v5;
	v4 =	vmul.f32 v4, v6;
	v5 =	vld [tilespmem:s14+$0xFFFFFFA0]  }
0x7a: {  	[tilespmem:s14+$0xFFFFFF40] =	vst v3;
	v3 =	vmul.f32 v12, v6;
	v11 =	vld [tilespmem:s14+$0xFFFFFFB0]  }
0x7b: {  	[tilespmem:s14+$0xFFFFFF50] =	vst v4;
	v4 =	vmul.f32 v7, v6;
	v6 =	vld [tilespmem:s14+$0xFFFFFFC0]  }
0x7c: {  	[tilespmem:s14+$0xFFFFFF60] =	vst v3;
	v3 =	vmul.f32 v8, v9;
	v7 =	vld [tilespmem:s14+$0xFFFFFFD0]  }
0x7d: {  	[tilespmem:s14+$0xFFFFFF70] =	vst v4;
	v4 =	vmul.f32 v10, v9;
	v8 =	vld [tilespmem:s14+$0xFFFFFFE0]  }
0x7e: {  	[tilespmem:s14+$0xFFFFFF80] =	vst v3;
	v3 =	vmul.f32 v5, v9;
	v5 =	vld [tilespmem:s14+$0xFFFFFFF0]  }
0x7f: {  	[tilespmem:s14+$0xFFFFFF90] =	vst v4;
	v4 =	vmul.f32 v11, v9;
	v10 =	vld [tilespmem:s14+$0x0]  }
0x80: {  	[tilespmem:s14+$0xFFFFFFA0] =	vst v3;
	v3 =	vmul.f32 v6, v9;
	v6 =	vld [tilespmem:s14+$0x10]  }
0x81: {  	[tilespmem:s14+$0xFFFFFFB0] =	vst v4;
	v4 =	vmul.f32 v7, v9;
	v7 =	vld [tilespmem:s14+$0x20]  }
0x82: {  	[tilespmem:s14+$0xFFFFFFC0] =	vst v3;
	v8 =	vmul.f32 v8, v9;
	v13 =	vld [tilespmem:s14+$0x30]  }
.Ltmp1:
0x83: {  	s9 =	sadd.s32 $0x1, s16;
	v11 =	vmov s16;
	[tilespmem:s14+$0xFFFFFFD0] =	vst v4;
	v5 =	vmul.f32 v5, v9;
	v3 =	vld [tilespmem:s14+$0x40];
	(pc) =	sbr.rel @p1 .LBB2_5-.Ltmp1, $4  }
0x84: {  	v9 =	vand.u32 $0x7C, v11;
	v11 =	vmov s9;
	s9 =	sadd.s32 $0x2, s16;
	[tilespmem:s14+$0xFFFFFFE0] =	vst v8;
	v8 =	vmul.f32 v10, v2;
	v4 =	vld [tilespmem:s14+$0x50]  }
0x85: {  	v10 =	vor.u32 v1, v9;
	v9 =	vmov s9;
	[tilespmem:s14+$0xFFFFFFF0] =	vst v5;
	v14 =	vmul.f32 v6, v2;
	v5 =	vld [tilespmem:s14+$0x60]  }
0x86: {  	v12 =	vand.u32 $0x7D, v11;
	v11 =	vand.u32 $0x7E, v9;
	[tilespmem:s14+$0x0] =	vst v8;
	v9 =	vmul.f32 v7, v2;
	v7 =	vld [tilespmem:s14+$0x70]  }
0x87: {  	s9 =	sadd.s32 $0x3, s16;
	s16 =	sadd.s32 $0x4, s16;
	v6 =	vbroadcast v10, $0x0;
	v12 =	vor.u32 v1, v12;
	[tilespmem:s14+$0x10] =	vst v14;
	v10 =	vmul.f32 v13, v2;
	v8 =	vld [tilespmem:s14+$0x80]  }
0x88: {  	v14 =	vld [tilespmem:s14+$0x90]  }
0x89: {  	v15 =	vld [tilespmem:s14+$0xA0]  }
0x8a: {  	v13 =	vmov s9;
	v11 =	vor.u32 v1, v11;
	v16 =	vld [tilespmem:s14+$0xC0]  }
0x8b: {  	v12 =	vbroadcast v12, $0x0;
	[tilespmem:s14+$0x20] =	vst v9;
	v3 =	vmul.f32 v3, v2;
	v9 =	vld [tilespmem:s14+$0xD0];
	v13 =	vand.u32 $0x7F, v13  }
0x8c: {  	v11 =	vbroadcast v11, $0x0;
	[tilespmem:s14+$0x30] =	vst v10;
	v4 =	vmul.f32 v4, v2;
	v10 =	vld [tilespmem:s14+$0xE0];
	v1 =	vor.u32 v1, v13  }
0x8d: {  	v13 =	vld [tilespmem:s14+$0xB0];
	[tilespmem:s14+$0x40] =	vst v3;
	v3 =	vmul.f32 v5, v2;
	v1 =	vbroadcast v1, $0x0  }
0x8e: {  	s16 =	sadd.s32 $0x200, s14;
	v5 =	vld.idx.msk [tilespmem:v6+s7+$0x0], $0xffff;
	[tilespmem:s14+$0x50] =	vst v4;
	v2 =	vmul.f32 v7, v2  }
0x8f: {  	v7 =	vld [tilespmem:s16+$0xF0];
	[tilespmem:s14+$0x60] =	vst v3;
	v3 =	vmul.f32 v8, v0  }
0x90: {  	v8 =	vld [tilespmem:s16+$0xFFFFFF00];
	[tilespmem:s14+$0x70] =	vst v2;
	v2 =	vmul.f32 v14, v0  }
0x91: {  	v4 =	vld.idx.msk [tilespmem:v12+s7+$0x0], $0xffff;
	[tilespmem:s14+$0x80] =	vst v3;
	v3 =	vmul.f32 v15, v0  }
0x92: {  	v6 =	vld.idx.msk [tilespmem:v11+s7+$0x0], $0xffff;
	[tilespmem:s14+$0x90] =	vst v2;
	v2 =	vmul.f32 v13, v0  }
0x93: {  	[tilespmem:s14+$0xA0] =	vst v3;
	v3 =	vmul.f32 v16, v0;
	v1 =	vld.idx.msk [tilespmem:v1+s7+$0x0], $0xffff  }
0x94: {  	v11 =	vld [tilespmem:s16+$0xFFFFFF10];
	[tilespmem:s15+$0xB0] =	vst v2;
	v2 =	vmul.f32 v9, v0  }
0x95: {  	v9 =	vld [tilespmem:s16+$0xFFFFFF20];
	v0 =	vmul.f32 v10, v0;
	[tilespmem:s15+$0xC0] =	vst v3  }
0x96: {  	v3 =	vld [tilespmem:s16+$0xFFFFFF30];
	[tilespmem:s15+$0xD0] =	vst v2  }
0x97: {  	v2 =	vld [tilespmem:s16+$0xFFFFFF40];
	[tilespmem:s15+$0xE0] =	vst v0;
	v0 =	vmul.f32 v8, v5  }
0x98: {  	v8 =	vld [tilespmem:s16+$0xFFFFFF50];
	v7 =	vmul.f32 v7, v1  }
0x99: {  	v10 =	vmul.f32 v11, v5;
	v11 =	vld [tilespmem:s16+$0xFFFFFF60];
	[tilespmem:s16+$0xFFFFFF00] =	vst v0  }
0x9a: {  	v0 =	vmul.f32 v9, v5;
	[tilespmem:s16+$0xF0] =	vst v7;
	v7 =	vld [tilespmem:s16+$0xFFFFFF70]  }
0x9b: {  	[tilespmem:s16+$0xFFFFFF10] =	vst v10;
	v9 =	vld [tilespmem:s16+$0xFFFFFF80];
	v3 =	vmul.f32 v3, v5  }
0x9c: {  	[tilespmem:s16+$0xFFFFFF20] =	vst v0;
	v0 =	vmul.f32 v2, v5;
	v2 =	vld [tilespmem:s16+$0xFFFFFF90]  }
0x9d: {  	[tilespmem:s16+$0xFFFFFF30] =	vst v3;
	v3 =	vmul.f32 v8, v5;
	v8 =	vld [tilespmem:s16+$0xFFFFFFA0]  }
0x9e: {  	v10 =	vld [tilespmem:s16+$0xFFFFFFB0];
	[tilespmem:s16+$0xFFFFFF40] =	vst v0;
	v0 =	vmul.f32 v11, v5  }
0x9f: {  	[tilespmem:s16+$0xFFFFFF50] =	vst v3;
	v3 =	vmul.f32 v7, v5;
	v5 =	vld [tilespmem:s16+$0xFFFFFFC0]  }
0xa0: {  	[tilespmem:s16+$0xFFFFFF60] =	vst v0;
	v0 =	vmul.f32 v9, v4;
	v7 =	vld [tilespmem:s16+$0xFFFFFFD0]  }
0xa1: {  	v2 =	vmul.f32 v2, v4;
	[tilespmem:s16+$0xFFFFFF70] =	vst v3;
	v3 =	vld [tilespmem:s16+$0xFFFFFFE0]  }
0xa2: {  	[tilespmem:s16+$0xFFFFFF80] =	vst v0;
	v0 =	vmul.f32 v8, v4;
	v8 =	vld [tilespmem:s16+$0xFFFFFFF0]  }
0xa3: {  	v9 =	vld [tilespmem:s16+$0x0];
	[tilespmem:s16+$0xFFFFFF90] =	vst v2;
	v2 =	vmul.f32 v10, v4  }
0xa4: {  	[tilespmem:s16+$0xFFFFFFA0] =	vst v0;
	v0 =	vmul.f32 v5, v4;
	v5 =	vld [tilespmem:s16+$0x10]  }
0xa5: {  	[tilespmem:s16+$0xFFFFFFB0] =	vst v2;
	v2 =	vmul.f32 v7, v4;
	v7 =	vld [tilespmem:s16+$0x20]  }
0xa6: {  	[tilespmem:s16+$0xFFFFFFC0] =	vst v0;
	v0 =	vmul.f32 v3, v4;
	v3 =	vld [tilespmem:s16+$0x30]  }
0xa7: {  	[tilespmem:s16+$0xFFFFFFD0] =	vst v2;
	v2 =	vmul.f32 v8, v4;
	v4 =	vld [tilespmem:s16+$0x40]  }
0xa8: {  	v8 =	vld [tilespmem:s16+$0x50];
	[tilespmem:s16+$0xFFFFFFE0] =	vst v0;
	v0 =	vmul.f32 v9, v6  }
0xa9: {  	[tilespmem:s16+$0xFFFFFFF0] =	vst v2;
	v2 =	vmul.f32 v5, v6;
	v5 =	vld [tilespmem:s16+$0x60]  }
0xaa: {  	[tilespmem:s16+$0x0] =	vst v0;
	v0 =	vmul.f32 v7, v6;
	v7 =	vld [tilespmem:s16+$0x70]  }
0xab: {  	[tilespmem:s16+$0x10] =	vst v2;
	v2 =	vmul.f32 v3, v6;
	v3 =	vld [tilespmem:s16+$0x80]  }
0xac: {  	[tilespmem:s16+$0x20] =	vst v0;
	v0 =	vmul.f32 v4, v6;
	v4 =	vld [tilespmem:s16+$0x90]  }
0xad: {  	[tilespmem:s16+$0x30] =	vst v2;
	v2 =	vmul.f32 v8, v6;
	v8 =	vld [tilespmem:s16+$0xA0]  }
0xae: {  	[tilespmem:s16+$0x40] =	vst v0;
	v0 =	vmul.f32 v5, v6;
	v5 =	vld [tilespmem:s16+$0xB0]  }
0xaf: {  	[tilespmem:s16+$0x50] =	vst v2;
	v2 =	vmul.f32 v7, v6;
	v6 =	vld [tilespmem:s16+$0xC0]  }
0xb0: {  	[tilespmem:s16+$0x60] =	vst v0;
	v0 =	vmul.f32 v3, v1;
	v3 =	vld [tilespmem:s16+$0xD0]  }
0xb1: {  	[tilespmem:s16+$0x70] =	vst v2;
	v2 =	vmul.f32 v4, v1;
	v4 =	vld [tilespmem:s16+$0xE0]  }
0xb2: {  	[tilespmem:s16+$0x80] =	vst v0;
	v0 =	vmul.f32 v8, v1  }
0xb3: {  	[tilespmem:s16+$0x90] =	vst v2;
	v2 =	vmul.f32 v5, v1  }
0xb4: {  	[tilespmem:s16+$0xA0] =	vst v0;
	v0 =	vmul.f32 v6, v1  }
0xb5: {  	[tilespmem:s16+$0xB0] =	vst v2;
	v2 =	vmul.f32 v3, v1  }
0xb6: {  	[tilespmem:s16+$0xC0] =	vst v0;
	v0 =	vmul.f32 v4, v1  }
0xb7: {  	[tilespmem:s16+$0xD0] =	vst v2  }
0xb8: {  	[tilespmem:s16+$0xE0] =	vst v0  }
0xb9: {  	_ =	swait.ge [sflag:s31], $0x80  }
0xba: {  	[sflag:s31] =	ssyncset.done $0x0  }
0xbb: {  	[sflag:s31] =	ssyncadd.s32 $0xFFFFFF80  }
0xbc: {  	[spmem:s6] =	stream.indirect.scatter.add.f32 [tilespmem:s23], [sflag:$0x8], $0x80, s20, s22, $0xb8;
	[tilespmem:$0x1E280] =	vst v63  }
0xbd: {  	s9 =	sadd.s32 @!p0 $0x180, s13;
	_ =	swait.ge [sflag:s3], $0x4000  }
0xbe: {  	s11 =	simm.s32 @p0 $0x8;
	s14 =	sand.u32 @!p0 $0x7C00, s9;
	[sflag:s3] =	ssyncset.done $0x0  }
0xbf: {  	s9 =	sand.u32 @!p0 $0x380, s9;
	s14 =	sadd.s32 @!p0 s8, s14;
	[sflag:s3] =	ssyncadd.s32 $0xFFFFC000  }
0xc0: {  	s9 =	sor.u32 @!p0 s9, s14;
	_ =	swait.ge @p0 [sflag:s11], $0x4000  }
0xc1: {  	s14 =	simm.s32 @!p0 $0xA880;
	s9 =	sshrl.u32 @!p0 s9, $0x3;
	[sflag:s11] =	ssyncset.done @p0 $0x0  }
0xc2: {  	s9 =	sadd.s32 @!p0 s1, s9;
	[sflag:s11] =	ssyncadd.s32 @p0 $0xFFFFC000;
	s11 =	simm.s32 @!p0 $0x0  }
0xc3: {  	[tilespmem:s14], [sflag:$0x3] =	stream.linear.gather @!p0 [hbm4b:s9+s11], $0x80, $0x38;
	[tilespmem:$0x1E280] =	vst v63  }
0xc4: {  	s9 =	sadd.s32 @!p0 $0x100, s13  }
0xc5: {  	s15 =	simm.s32 $0x0;
	s13 =	sand.u32 @!p0 $0x7C00, s9  }
0xc6: {  	s14 =	simm.s32 @!p0 $0x8;
	s9 =	sand.u32 @!p0 $0x300, s9;
	s13 =	sadd.s32 @!p0 s8, s13  }
0xc7: {  	v0 =	vmov s15;
	s16 =	simm.s32 $0x3;
	_ =	swait.ge @!p0 [sflag:s14], $0x4000;
	s9 =	sor.u32 @!p0 s9, s13  }
0xc8: {  	v1 =	vmov s12;
	v0 =	vand.u32 $0x7C, v0;
	v2 =	vmov s16;
	[sflag:s14] =	ssyncset.done @!p0 $0x0;
	s9 =	sshrl.u32 @!p0 s9, $0x3  }
0xc9: {  	v0 =	vor.u32 v1, v0;
	v2 =	vand.u32 $0x7F, v2;
	[sflag:s14] =	ssyncadd.s32 @!p0 $0xFFFFC000;
	s14 =	simm.s32 @!p0 $0xA900;
	s9 =	sadd.s32 @!p0 s2, s9  }
0xca: {  	v0 =	vbroadcast v0, $0x0;
	v2 =	vor.u32 v1, v2;
	[tilespmem:s14], [sflag:$0x4] =	stream.linear.gather @!p0 [hbm4b:s9+s11], $0x80, $0x38;
	[tilespmem:$0x1E280] =	vst v63  }
0xcb: {  	v2 =	vbroadcast v2, $0x0;
	s9 =	simm.s32 @!p0 $0x2  }
0xcc: {  	_ =	swait.ge @!p0 [sflag:s9], $0x80  }
0xcd: {  	s12 =	simm.s32 @!p0 $0x2800;
	[sflag:s9] =	ssyncset.done @!p0 $0x0  }
0xce: {  	s11 =	simm.s32 @!p0 $0xA800;
	[sflag:s9] =	ssyncadd.s32 @!p0 $0xFFFFFF80;
	s9 =	simm.s32 @!p0 $0x80  }
0xcf: {  	[tilespmem:s12], [sflag:$0x6] =	stream.indirect.gather @!p0 [hbm4b:s0+s9], $0x80, s11, s9, $0xb8;
	[tilespmem:$0x1E280] =	vst v63  }
0xd0: {  	v3 =	vld.idx.msk [tilespmem:v0+s7+$0x0], $0xffff  }
0xd1: {  	s12 =	simm.s32 $0x6900;
	v0 =	vld.idx.msk [tilespmem:v2+s7+$0x0], $0xffff  }
0xd2: {  	s11 =	simm.s32 $0x1;
	v5 =	vld [tilespmem:s12+$0xFFFFFF00]  }
0xd3: {  	v4 =	vmov s11;
	v6 =	vld [tilespmem:s12+$0xFFFFFF10]  }
0xd4: {  	v7 =	vld [tilespmem:s12+$0xFFFFFF20];
	v2 =	vand.u32 $0x7D, v4  }
0xd5: {  	v8 =	vld [tilespmem:s12+$0xFFFFFF30];
	v2 =	vor.u32 v1, v2  }
0xd6: {  	v11 =	vld [tilespmem:s12+$0xFFFFFF60];
	v2 =	vbroadcast v2, $0x0  }
0xd7: {  	v4 =	vld [tilespmem:s12+$0xF0]  }
0xd8: {  	v9 =	vld [tilespmem:s12+$0xFFFFFF40];
	v5 =	vmul.f32 v5, v3  }
0xd9: {  	v10 =	vld [tilespmem:s12+$0xFFFFFF50];
	v6 =	vmul.f32 v6, v3  }
0xda: {  	[tilespmem:s12+$0xFFFFFF00] =	vst v5;
	v5 =	vld [tilespmem:s12+$0xFFFFFF70]  }
0xdb: {  	s13 =	simm.s32 $0x2;
	v11 =	vmul.f32 v11, v3;
	[tilespmem:s12+$0xFFFFFF10] =	vst v6;
	v6 =	vmul.f32 v8, v3;
	v8 =	vld [tilespmem:s12+$0xFFFFFFA0]  }
0xdc: {  	v12 =	vmov s13;
	v4 =	vmul.f32 v4, v0;
	v13 =	vld.idx.msk [tilespmem:v2+s7+$0x0], $0xffff  }
0xdd: {  	[tilespmem:s12+$0xFFFFFF60] =	vst v11;
	v2 =	vand.u32 $0x7E, v12;
	v12 =	vld [tilespmem:s12+$0xFFFFFF80]  }
0xde: {  	[tilespmem:s12+$0xF0] =	vst v4;
	v4 =	vmul.f32 v7, v3;
	v7 =	vld [tilespmem:s12+$0xFFFFFF90];
	v2 =	vor.u32 v1, v2  }
0xdf: {  	[tilespmem:s12+$0xFFFFFF30] =	vst v6;
	v6 =	vmul.f32 v10, v3;
	v10 =	vld [tilespmem:s12+$0xFFFFFFC0];
	v2 =	vbroadcast v2, $0x0  }
0xe0: {  	[tilespmem:s12+$0xFFFFFF20] =	vst v4;
	v4 =	vmul.f32 v9, v3;
	v9 =	vld [tilespmem:s12+$0xFFFFFFB0]  }
0xe1: {  	[tilespmem:s12+$0xFFFFFF50] =	vst v6;
	v6 =	vld [tilespmem:s12+$0xFFFFFFE0];
	v3 =	vmul.f32 v5, v3  }
0xe2: {  	[tilespmem:s12+$0xFFFFFF40] =	vst v4;
	v5 =	vld [tilespmem:s12+$0xFFFFFFF0];
	v4 =	vmul.f32 v12, v13  }
0xe3: {  	v12 =	vld [tilespmem:s12+$0xFFFFFFD0];
	[tilespmem:s12+$0xFFFFFF70] =	vst v3;
	v3 =	vmul.f32 v8, v13  }
0xe4: {  	[tilespmem:s12+$0xFFFFFF80] =	vst v4;
	v4 =	vmul.f32 v7, v13;
	v7 =	vld [tilespmem:s12+$0x0]  }
0xe5: {  	[tilespmem:s12+$0xFFFFFFA0] =	vst v3;
	v3 =	vmul.f32 v10, v13;
	v2 =	vld.idx.msk [tilespmem:v2+s7+$0x0], $0xffff  }
0xe6: {  	v8 =	vld [tilespmem:s12+$0x10];
	[tilespmem:s12+$0xFFFFFF90] =	vst v4;
	v4 =	vmul.f32 v9, v13  }
0xe7: {  	s14 =	simm.s32 $0x4;
	v6 =	vmul.f32 v6, v13;
	v9 =	vld [tilespmem:s12+$0x20];
	[tilespmem:s12+$0xFFFFFFC0] =	vst v3  }
0xe8: {  	v11 =	vmov s14;
	v10 =	vld [tilespmem:s12+$0x30];
	[tilespmem:s12+$0xFFFFFFB0] =	vst v4;
	v4 =	vmul.f32 v12, v13  }
0xe9: {  	v11 =	vand.u32 $0x7C, v11;
	v3 =	vld [tilespmem:s12+$0x40];
	[tilespmem:s12+$0xFFFFFFE0] =	vst v6;
	v12 =	vmul.f32 v5, v13  }
0xea: {  	s15 =	simm.s32 $0x5;
	s16 =	simm.s32 $0x6;
	v6 =	vor.u32 v1, v11;
	[tilespmem:s12+$0xFFFFFFD0] =	vst v4;
	v7 =	vmul.f32 v7, v2;
	v4 =	vld [tilespmem:s12+$0x50]  }
0xeb: {  	v11 =	vmov s16;
	v13 =	vmov s15;
	v5 =	vld [tilespmem:s12+$0x60];
	v8 =	vmul.f32 v8, v2;
	[tilespmem:s12+$0xFFFFFFF0] =	vst v12  }
0xec: {  	v11 =	vand.u32 $0x7E, v11;
	v12 =	vand.u32 $0x7D, v13;
	v9 =	vmul.f32 v9, v2;
	[tilespmem:s12+$0x0] =	vst v7;
	v7 =	vld [tilespmem:s12+$0x70]  }
0xed: {  	s13 =	simm.s32 $0x6900;
	s9 =	simm.s32 $0x7;
	s14 =	simm.s32 $0x8;
	v6 =	vbroadcast v6, $0x0;
	v10 =	vmul.f32 v10, v2;
	v12 =	vor.u32 v1, v12;
	[tilespmem:s12+$0x10] =	vst v8;
	v8 =	vld [tilespmem:s12+$0x80]  }
.LBB2_7:
0xee: {  	p0 =	slt.u32 s14, $0x7C;
	v11 =	vor.u32 v1, v11;
	v13 =	vmov s9;
	[tilespmem:s12+$0x20] =	vst v9;
	v3 =	vmul.f32 v3, v2;
	v9 =	vld [tilespmem:s12+$0x90]  }
0xef: {  	v12 =	vbroadcast v12, $0x0;
	v13 =	vand.u32 $0x7F, v13;
	[tilespmem:s12+$0x30] =	vst v10;
	v4 =	vmul.f32 v4, v2;
	v10 =	vld [tilespmem:s12+$0xA0]  }
0xf0: {  	v11 =	vbroadcast v11, $0x0;
	v13 =	vor.u32 v1, v13;
	[tilespmem:s12+$0x40] =	vst v3;
	v3 =	vmul.f32 v5, v2;
	v5 =	vld [tilespmem:s12+$0xB0]  }
0xf1: {  	v13 =	vbroadcast v13, $0x0;
	[tilespmem:s12+$0x50] =	vst v4;
	v2 =	vmul.f32 v7, v2;
	v4 =	vld [tilespmem:s12+$0xC0]  }
0xf2: {  	[tilespmem:s12+$0x60] =	vst v3;
	v3 =	vmul.f32 v8, v0;
	v7 =	vld [tilespmem:s12+$0xD0]  }
0xf3: {  	[tilespmem:s12+$0x70] =	vst v2;
	v2 =	vmul.f32 v9, v0;
	v8 =	vld [tilespmem:s12+$0xE0]  }
0xf4: {  	v6 =	vld.idx.msk [tilespmem:v6+s7+$0x0], $0xffff;
	[tilespmem:s12+$0x80] =	vst v3;
	v3 =	vmul.f32 v10, v0  }
0xf5: {  	v9 =	vld.idx.msk [tilespmem:v12+s7+$0x0], $0xffff;
	[tilespmem:s12+$0x90] =	vst v2;
	v5 =	vmul.f32 v5, v0  }
0xf6: {  	v2 =	vld.idx.msk [tilespmem:v11+s7+$0x0], $0xffff;
	[tilespmem:s12+$0xA0] =	vst v3;
	v3 =	vmul.f32 v4, v0  }
0xf7: {  	s12 =	sadd.s32 $0x200, s12;
	v4 =	vld.idx.msk [tilespmem:v13+s7+$0x0], $0xffff;
	[tilespmem:s13+$0xB0] =	vst v5;
	v5 =	vmul.f32 v7, v0  }
0xf8: {  	v7 =	vld [tilespmem:s12+$0xF0];
	[tilespmem:s13+$0xC0] =	vst v3;
	v0 =	vmul.f32 v8, v0  }
0xf9: {  	v3 =	vld [tilespmem:s12+$0xFFFFFF00];
	[tilespmem:s13+$0xD0] =	vst v5  }
0xfa: {  	v5 =	vld [tilespmem:s12+$0xFFFFFF10];
	[tilespmem:s13+$0xE0] =	vst v0;
	s13 =	smov.u32 s12  }
0xfb: {  	v8 =	vld [tilespmem:s12+$0xFFFFFF20]  }
0xfc: {  	v10 =	vld [tilespmem:s12+$0xFFFFFF30]  }
0xfd: {  	v0 =	vmov v4;
	v11 =	vld [tilespmem:s12+$0xFFFFFF40];
	v7 =	vmul.f32 v7, v4  }
0xfe: {  	v3 =	vmul.f32 v3, v6;
	v4 =	vld [tilespmem:s12+$0xFFFFFF50]  }
0xff: {  	v5 =	vmul.f32 v5, v6;
	v12 =	vld [tilespmem:s12+$0xFFFFFF60];
	[tilespmem:s12+$0xF0] =	vst v7  }
0x100: {  	[tilespmem:s12+$0xFFFFFF00] =	vst v3;
	v3 =	vmul.f32 v8, v6;
	v7 =	vld [tilespmem:s12+$0xFFFFFF70]  }
0x101: {  	[tilespmem:s12+$0xFFFFFF10] =	vst v5;
	v5 =	vmul.f32 v10, v6;
	v8 =	vld [tilespmem:s12+$0xFFFFFF80]  }
0x102: {  	[tilespmem:s12+$0xFFFFFF20] =	vst v3;
	v3 =	vmul.f32 v11, v6;
	v10 =	vld [tilespmem:s12+$0xFFFFFF90]  }
0x103: {  	[tilespmem:s12+$0xFFFFFF30] =	vst v5;
	v4 =	vmul.f32 v4, v6;
	v5 =	vld [tilespmem:s12+$0xFFFFFFA0]  }
0x104: {  	[tilespmem:s12+$0xFFFFFF40] =	vst v3;
	v3 =	vmul.f32 v12, v6;
	v11 =	vld [tilespmem:s12+$0xFFFFFFB0]  }
0x105: {  	[tilespmem:s12+$0xFFFFFF50] =	vst v4;
	v4 =	vmul.f32 v7, v6;
	v6 =	vld [tilespmem:s12+$0xFFFFFFC0]  }
0x106: {  	[tilespmem:s12+$0xFFFFFF60] =	vst v3;
	v3 =	vmul.f32 v8, v9;
	v7 =	vld [tilespmem:s12+$0xFFFFFFD0]  }
0x107: {  	[tilespmem:s12+$0xFFFFFF70] =	vst v4;
	v4 =	vmul.f32 v10, v9;
	v8 =	vld [tilespmem:s12+$0xFFFFFFE0]  }
0x108: {  	[tilespmem:s12+$0xFFFFFF80] =	vst v3;
	v3 =	vmul.f32 v5, v9;
	v5 =	vld [tilespmem:s12+$0xFFFFFFF0]  }
0x109: {  	[tilespmem:s12+$0xFFFFFF90] =	vst v4;
	v4 =	vmul.f32 v11, v9;
	v10 =	vld [tilespmem:s12+$0x0]  }
0x10a: {  	[tilespmem:s12+$0xFFFFFFA0] =	vst v3;
	v3 =	vmul.f32 v6, v9;
	v6 =	vld [tilespmem:s12+$0x10]  }
0x10b: {  	[tilespmem:s12+$0xFFFFFFB0] =	vst v4;
	v4 =	vmul.f32 v7, v9;
	v7 =	vld [tilespmem:s12+$0x20]  }
0x10c: {  	[tilespmem:s12+$0xFFFFFFC0] =	vst v3;
	v8 =	vmul.f32 v8, v9;
	v13 =	vld [tilespmem:s12+$0x30]  }
.Ltmp2:
0x10d: {  	s9 =	sadd.s32 $0x1, s14;
	v11 =	vmov s14;
	[tilespmem:s12+$0xFFFFFFD0] =	vst v4;
	v5 =	vmul.f32 v5, v9;
	v3 =	vld [tilespmem:s12+$0x40];
	(pc) =	sbr.rel @p0 .LBB2_7-.Ltmp2, $4  }
0x10e: {  	v9 =	vand.u32 $0x7C, v11;
	v11 =	vmov s9;
	s9 =	sadd.s32 $0x2, s14;
	[tilespmem:s12+$0xFFFFFFE0] =	vst v8;
	v8 =	vmul.f32 v10, v2;
	v4 =	vld [tilespmem:s12+$0x50]  }
0x10f: {  	v10 =	vor.u32 v1, v9;
	v9 =	vmov s9;
	[tilespmem:s12+$0xFFFFFFF0] =	vst v5;
	v14 =	vmul.f32 v6, v2;
	v5 =	vld [tilespmem:s12+$0x60]  }
0x110: {  	v12 =	vand.u32 $0x7D, v11;
	v11 =	vand.u32 $0x7E, v9;
	[tilespmem:s12+$0x0] =	vst v8;
	v9 =	vmul.f32 v7, v2;
	v7 =	vld [tilespmem:s12+$0x70]  }
0x111: {  	s9 =	sadd.s32 $0x3, s14;
	s14 =	sadd.s32 $0x4, s14;
	v6 =	vbroadcast v10, $0x0;
	v12 =	vor.u32 v1, v12;
	[tilespmem:s12+$0x10] =	vst v14;
	v10 =	vmul.f32 v13, v2;
	v8 =	vld [tilespmem:s12+$0x80]  }
0x112: {  	v14 =	vld [tilespmem:s12+$0x90]  }
0x113: {  	v15 =	vld [tilespmem:s12+$0xA0]  }
0x114: {  	v41 =	vld [tilespmem:s12+$0xB0]  }
0x115: {  	v16 =	vld [tilespmem:s12+$0xC0]  }
0x116: {  	[tilespmem:s12+$0x20] =	vst v9;
	v3 =	vmul.f32 v3, v2;
	v42 =	vld [tilespmem:s12+$0xD0]  }
0x117: {  	v43 =	vld [tilespmem:s12+$0xE0];
	[tilespmem:s12+$0x30] =	vst v10;
	v4 =	vmul.f32 v4, v2  }
0x118: {  	s14 =	sadd.s32 $0x200, s12;
	v45 =	vld.idx.msk [tilespmem:v6+s7+$0x0], $0xffff;
	[tilespmem:s12+$0x40] =	vst v3;
	v44 =	vmul.f32 v5, v2  }
0x119: {  	v51 =	vld [tilespmem:s14+$0xF0];
	[tilespmem:s12+$0x50] =	vst v4;
	v46 =	vmul.f32 v7, v2  }
0x11a: {  	v53 =	vld [tilespmem:s14+$0xFFFFFF00];
	[tilespmem:s12+$0x60] =	vst v44;
	v48 =	vmul.f32 v8, v0  }
0x11b: {  	v55 =	vld [tilespmem:s14+$0xFFFFFF10];
	[tilespmem:s12+$0x70] =	vst v46;
	v49 =	vmul.f32 v14, v0  }
0x11c: {  	v12 =	vbroadcast v12, $0x0;
	v57 =	vld [tilespmem:s14+$0xFFFFFF20];
	v50 =	vmul.f32 v15, v0;
	[tilespmem:s12+$0x80] =	vst v48  }
0x11d: {  	v59 =	vld [tilespmem:s14+$0xFFFFFF30];
	v52 =	vmul.f32 v41, v0;
	[tilespmem:s12+$0x90] =	vst v49  }
0x11e: {  	v60 =	vld [tilespmem:s14+$0xFFFFFF40];
	v54 =	vmul.f32 v16, v0;
	[tilespmem:s12+$0xA0] =	vst v50  }
0x11f: {  	v62 =	vld [tilespmem:s14+$0xFFFFFF50];
	v56 =	vmul.f32 v42, v0;
	[tilespmem:s13+$0xB0] =	vst v52  }
0x120: {  	v17 =	vld [tilespmem:s14+$0xFFFFFF90];
	v58 =	vmul.f32 v43, v0;
	[tilespmem:s13+$0xC0] =	vst v54  }
0x121: {  	v13 =	vmov s9;
	v14 =	vld [tilespmem:s14+$0xFFFFFF70];
	v61 =	vmul.f32 v53, v45;
	[tilespmem:s13+$0xD0] =	vst v56  }
0x122: {  	v13 =	vand.u32 $0x7F, v13;
	v47 =	vld.idx.msk [tilespmem:v12+s7+$0x0], $0xffff;
	v63 =	vmul.f32 v55, v45;
	[tilespmem:s13+$0xE0] =	vst v58  }
0x123: {  	v40 =	vor.u32 v1, v13;
	v12 =	vld [tilespmem:s14+$0xFFFFFF60];
	v13 =	vmul.f32 v57, v45;
	[tilespmem:s14+$0xFFFFFF00] =	vst v61  }
0x124: {  	v15 =	vld [tilespmem:s14+$0xFFFFFF80];
	v3 =	vmul.f32 v59, v45;
	[tilespmem:s14+$0xFFFFFF10] =	vst v63  }
0x125: {  	v11 =	vor.u32 v1, v11;
	v19 =	vld [tilespmem:s14+$0xFFFFFFA0];
	v16 =	vmul.f32 v60, v45;
	[tilespmem:s14+$0xFFFFFF20] =	vst v13  }
0x126: {  	v11 =	vbroadcast v11, $0x0;
	v21 =	vld [tilespmem:s14+$0xFFFFFFB0];
	v18 =	vmul.f32 v62, v45;
	[tilespmem:s14+$0xFFFFFF30] =	vst v3  }
0x127: {  	v23 =	vld [tilespmem:s14+$0xFFFFFFC0];
	[tilespmem:s14+$0xFFFFFF40] =	vst v16;
	v22 =	vmul.f32 v14, v45  }
0x128: {  	v25 =	vld [tilespmem:s14+$0xFFFFFFD0];
	[tilespmem:s14+$0xFFFFFF50] =	vst v18;
	v20 =	vmul.f32 v12, v45  }
0x129: {  	v26 =	vld [tilespmem:s14+$0xFFFFFFE0];
	v24 =	vmul.f32 v15, v47;
	[tilespmem:s14+$0xFFFFFF70] =	vst v22  }
0x12a: {  	v28 =	vld [tilespmem:s14+$0xFFFFFFF0];
	v2 =	vmul.f32 v17, v47;
	[tilespmem:s14+$0xFFFFFF60] =	vst v20  }
0x12b: {  	v30 =	vld [tilespmem:s14+$0x0];
	v27 =	vmul.f32 v19, v47;
	[tilespmem:s14+$0xFFFFFF80] =	vst v24  }
0x12c: {  	v6 =	vld.idx.msk [tilespmem:v11+s7+$0x0], $0xffff;
	v29 =	vmul.f32 v21, v47;
	[tilespmem:s14+$0xFFFFFF90] =	vst v2  }
0x12d: {  	v32 =	vld [tilespmem:s14+$0x10];
	v1 =	vbroadcast v40, $0x0;
	v31 =	vmul.f32 v23, v47;
	[tilespmem:s14+$0xFFFFFFA0] =	vst v27  }
0x12e: {  	v34 =	vld [tilespmem:s14+$0x20];
	v33 =	vmul.f32 v25, v47;
	[tilespmem:s14+$0xFFFFFFB0] =	vst v29  }
0x12f: {  	v36 =	vld [tilespmem:s14+$0x30];
	v35 =	vmul.f32 v26, v47;
	[tilespmem:s14+$0xFFFFFFC0] =	vst v31  }
0x130: {  	v38 =	vld [tilespmem:s14+$0x40];
	v37 =	vmul.f32 v28, v47;
	[tilespmem:s14+$0xFFFFFFD0] =	vst v33  }
0x131: {  	v40 =	vld [tilespmem:s14+$0x50];
	v39 =	vmul.f32 v30, v6;
	[tilespmem:s14+$0xFFFFFFE0] =	vst v35  }
0x132: {  	v44 =	vld [tilespmem:s14+$0x70];
	v41 =	vmul.f32 v32, v6;
	[tilespmem:s14+$0xFFFFFFF0] =	vst v37  }
0x133: {  	v1 =	vld.idx.msk [tilespmem:v1+s7+$0x0], $0xffff;
	v43 =	vmul.f32 v34, v6;
	[tilespmem:s14+$0x0] =	vst v39  }
0x134: {  	v42 =	vld [tilespmem:s14+$0x60];
	v45 =	vmul.f32 v36, v6;
	[tilespmem:s14+$0x10] =	vst v41  }
0x135: {  	v46 =	vld [tilespmem:s14+$0x80];
	v47 =	vmul.f32 v38, v6;
	[tilespmem:s14+$0x20] =	vst v43  }
0x136: {  	v48 =	vld [tilespmem:s14+$0x90];
	v49 =	vmul.f32 v40, v6;
	[tilespmem:s14+$0x30] =	vst v45  }
0x137: {  	v50 =	vld [tilespmem:s14+$0xA0];
	v53 =	vmul.f32 v44, v6;
	[tilespmem:s14+$0x40] =	vst v47  }
0x138: {  	v52 =	vld [tilespmem:s14+$0xB0];
	v7 =	vmul.f32 v51, v1;
	[tilespmem:s14+$0x50] =	vst v49  }
0x139: {  	v54 =	vld [tilespmem:s14+$0xC0];
	v51 =	vmul.f32 v42, v6;
	[tilespmem:s14+$0x70] =	vst v53  }
0x13a: {  	v56 =	vld [tilespmem:s14+$0xD0];
	v55 =	vmul.f32 v46, v1;
	[tilespmem:s14+$0xF0] =	vst v7  }
0x13b: {  	v58 =	vld [tilespmem:s14+$0xE0];
	v57 =	vmul.f32 v48, v1;
	[tilespmem:s14+$0x60] =	vst v51  }
0x13c: {  	v59 =	vmul.f32 v50, v1;
	[tilespmem:s14+$0x80] =	vst v55  }
0x13d: {  	v60 =	vmul.f32 v52, v1;
	[tilespmem:s14+$0x90] =	vst v57  }
0x13e: {  	v61 =	vmul.f32 v54, v1;
	[tilespmem:s14+$0xA0] =	vst v59  }
0x13f: {  	v62 =	vmul.f32 v56, v1;
	[tilespmem:s14+$0xB0] =	vst v60  }
0x140: {  	s10 =	sadd.s32 $0x1, s10;
	v63 =	vmul.f32 v58, v1;
	[tilespmem:s14+$0xC0] =	vst v61  }
0x141: {  	p0 =	sne.s32 s10, $0x28;
	[tilespmem:s14+$0xD0] =	vst v62  }
.Ltmp3:
0x142: {  	[tilespmem:s14+$0xE0] =	vst v63;
	(pc) =	sbr.rel @p0 .LBB2_2-.Ltmp3, $4  }
0x143: {  	_ =	swait.ge [sflag:s5], $0x80  }
0x144: {  	[sflag:s5] =	ssyncset.done $0x0  }
0x145: {  	[sflag:s5] =	ssyncadd.s32 $0xFFFFFF80  }
0x146: {  	[spmem:s6] =	stream.indirect.scatter.add.f32 [tilespmem:s30], [sflag:$0x9], $0x80, s28, s22, $0xb8;
	[tilespmem:$0x1E280] =	vst v63  }
0x147: {  	_ =	swait.ge [sflag:s4], $0x4000  }
0x148: {  	[sflag:s4] =	ssyncset.done $0x0  }
0x149: {  	[sflag:s4] =	ssyncadd.s32 $0xFFFFC000  }
0x14a: {  	[bflag:$0x0] =	sbarrier.arrive $0xFFFF  }
0x14b: {  	s9 =	rddreg [dreg:$0x8]  }
0x14c: {  	s10 =	rddreg [dreg:$0xe];
	s9 =	sor.u32 $0x1C0A, s9  }
0x14d: {  	[hbm:s10], [sflag:s9] =	dma.local [spmem:s17], $0x2800  }
0x14e: {  	_ =	swait.ge [sflag:s24], $0x2800  }
0x14f: {  	s18 =	sadd.s32 $0x1, s18;
	s16 =	rddreg [dreg:$0xf]  }
0x150: {  	p0 =	sne.s32 s18, s16  }
.Ltmp4:
0x151: {  	_ = 	snop;
	(pc) =	sbr.rel @p0 .LBB2_1-.Ltmp4, $3  }
0x152: {  	_ =	sdelay $0x1  }
0x153: {  	[sflag:s24] =	ssyncset.done $0x0  }
0x154: {  	[sflag:s24] =	ssyncadd.s32 $0xFFFFD800  }
0x155: {  	_ =	sfence.sel $0x180000  }
0x156: {  	[bflag:$0x0] =	sbarrier.arrive $0xFFFF  }
0x157: {  	_ =	strace $0x90000047  }
0x158: {  	s0 =	stileid.u32;
	[bflag:$0x2] =	sbarrier.arrive $0xFFFF  }
0x159: {  	p0 =	sne.s32 s0, $0x0;
	s0 =	rddreg [dreg:$0x7]  }
0x15a: {  	s0 =	sadd.s32 @!p0 $0x100000, s0  }
0x15b: {  	[sflag:s0] =	ssyncadd.tile.s32 @!p0 $0x1;
	_ =	shalt  }
.Lfunc_end2:
_tile_overlayer_lowered:
.L_overlay_start_2:
0x15c: {  	(tag) =	ssettag $0x2  }
0x15d: {  	s0 =	rddreg [dreg:$0x0];
	s2 =	stileid.u32  }
0x15e: {  	s1 =	rddreg [dreg:$0x1];
	p0 =	sne.s32 s2, $0x0  }
0x15f: {  	s3 =	rddreg [dreg:$0x2];
	[bflag:$0x3] =	sbarrier.arrive $0xFFFF;
	s2 =	simm.s32 @!p0 $0x1C0A  }
0x160: {  	[timem:s3], [sflag:s2] =	dma.local @!p0 [hbm:s0], s1  }
0x161: {  	s0 =	simm.s32 @!p0 $0xA  }
0x162: {  	_ =	swait.ge @!p0 [sflag:s0], s1  }
0x163: {  	s1 =	ssub.s32 @!p0 $0x0, s1;
	[sflag:s0] =	ssyncset.done @!p0 $0x0  }
0x164: {  	[sflag:s0] =	ssyncadd.s32 @!p0 s1  }
0x165: {  	[bflag:$0x3] =	sbarrier.arrive $0xFFFF  }
0x166: {  	_ =	shalt  }

</sc_bundles>
